<compile_context>
chip_gen: v7x
topology: tpu7x:2x2x1
jax: 0.10.2.dev20260603
libtpu: 0.0.44.dev20260713+nightly
codegen_flags: <defaults>
</compile_context>

<pallas_src>
import functools

import jax
import jax.numpy as jnp
from jax import lax
from jax.experimental import pallas as pl
from jax.experimental.pallas import tpu as pltpu
from jax.experimental.pallas import tpu_sc as plsc

_OFFSET_RANGE = 100
_LANES = 16
_NC = 2
_NS = 16
_NW = _NC * _NS


_NBUF = 4


def _sc_gather(n_rows_per_w: int, n_total: int, d: int):
    mesh = plsc.VectorSubcoreMesh(core_axis_name="c", subcore_axis_name="s")
    n_rounds = n_rows_per_w // _NBUF

    @functools.partial(
        pl.kernel,
        mesh=mesh,
        out_type=jax.ShapeDtypeStruct((n_total, d), jnp.float32),
        scratch_types=[
            pltpu.VMEM((n_rows_per_w, 128), jnp.int32),
            pltpu.VMEM((n_rows_per_w, 128), jnp.int32),
        ]
        + [pltpu.VMEM((128, d), jnp.float32) for _ in range(_NBUF)]
        + [pltpu.SemaphoreType.DMA for _ in range(2 * _NBUF)],
    )
    def body(x_hbm, off_hbm, table_hbm, out_hbm, idx_v, off_v, *bufs_and_sems):
        rows = bufs_and_sems[:_NBUF]
        sem_g = bufs_and_sems[_NBUF:2 * _NBUF]
        sem_o = bufs_and_sems[2 * _NBUF:]
        wid = lax.axis_index("s") * _NC + lax.axis_index("c")
        rbase = wid * n_rows_per_w

        pltpu.sync_copy(x_hbm.at[pl.ds(rbase, n_rows_per_w)], idx_v)
        pltpu.sync_copy(off_hbm.at[pl.ds(rbase, n_rows_per_w)], off_v)

        def add_row(j, carry):
            for k in range(128 // _LANES):
                sl = pl.ds(k * _LANES, _LANES)
                idx_v[j, sl] = idx_v[j, sl] + off_v[j, sl]
            return carry

        lax.fori_loop(0, n_rows_per_w, add_row, 0)

        def gather_start(j, b):
            pltpu.async_copy(table_hbm.at[idx_v.at[j]], rows[b], sem_g[b])

        def gather_wait(b):
            pltpu.make_async_copy(
                table_hbm.at[pl.ds(0, 128)], rows[b], sem_g[b]
            ).wait()

        def out_copy(j, b):
            dst = out_hbm.at[pl.ds((rbase + j) * 128, 128)]
            return pltpu.async_copy(rows[b], dst, sem_o[b])

        for b in range(_NBUF):
            gather_start(b, b)

        def round_body(g, carry):
            j0 = g * _NBUF
            for b in range(_NBUF):
                gather_wait(b)
                out_copy(j0 + b, b).wait()
                gather_start(j0 + b + _NBUF, b)
            return carry

        lax.fori_loop(0, n_rounds - 1, round_body, 0)

        j0 = (n_rounds - 1) * _NBUF
        for b in range(_NBUF):
            gather_wait(b)
            out_copy(j0 + b, b).wait()

    return body


def kernel(x, table):
    batch, hist = x.shape
    n = batch * hist
    d = table.shape[1]

    offset = jax.random.randint(
        jax.random.key(42), (batch, 1), 1, _OFFSET_RANGE + 1
    )
    off_full = jnp.broadcast_to(offset, (batch, hist)).astype(jnp.int32)

    n_rows = n // 128
    x2 = x.astype(jnp.int32).reshape(n_rows, 128)
    off2 = off_full.reshape(n_rows, 128)

    out = _sc_gather(n_rows // _NW, n, d)(x2, off2, table)
    return out.reshape(batch, hist, d)

# --- scband reference (transcript-rebuilt; emitter-appended) ---
"""Pipeline reference for scband-abacus-embedding-31069793419439 (READ-ONLY COPY).

The authoritative reference and input builder live on the scoring server;
editing this copy changes nothing except your own understanding.
"""

import jax, jax.numpy as jnp
import numpy as np

NUM_EMBEDDINGS = 100000
EMBEDDING_DIM = 128
OFFSET_RANGE = 100
BATCH = 4096
HIST_LEN = 200


def setup_inputs(seed: int = 0) -> dict:
    key = jax.random.key(seed)
    k1, k2 = jax.random.split(key)
    # indices capped so x + offset stays in-range: max idx = 99898 + 100 < 100000
    x = jax.random.randint(k1, (BATCH, HIST_LEN), 0, NUM_EMBEDDINGS - OFFSET_RANGE - 1)
    table = jax.random.normal(k2, (NUM_EMBEDDINGS, EMBEDDING_DIM), dtype=jnp.float32)
    return {"x": x, "table": table}


def reference(x, table):
    # AbacusEmbedding.forward: add a per-batch random offset in [1, offset_range],
    # then embedding lookup. Randomness made deterministic via fixed key.
    batch_size = x.shape[0]
    offset = jax.random.randint(jax.random.key(42), (batch_size, 1), 1, OFFSET_RANGE + 1)
    idx = x + offset
    return jnp.take(table, idx, axis=0)

if __name__ == "__main__":
    import jax
    _d = setup_inputs()
    print(jax.jit(kernel)(*tuple(_d.values())))

</pallas_src>

<mosaic_0001>
#map = affine_map<(d0, d1) -> (0, 0)>
module attributes {stable_mosaic.version = 14 : i64} {
  func.func @body(%arg0: i32, %arg1: i32, %arg2: memref<6400x128xi32, #tpu.memory_space<hbm>>, %arg3: memref<6400x128xi32, #tpu.memory_space<hbm>>, %arg4: memref<100000x128xf32, #tpu.memory_space<hbm>>, %arg5: memref<819200x128xf32, #tpu.memory_space<hbm>>, %arg6: memref<200x128xi32, #tpu.memory_space<vmem>>, %arg7: memref<200x128xi32, #tpu.memory_space<vmem>>, %arg8: memref<128x128xf32, #tpu.memory_space<vmem>>, %arg9: memref<128x128xf32, #tpu.memory_space<vmem>>, %arg10: memref<128x128xf32, #tpu.memory_space<vmem>>, %arg11: memref<128x128xf32, #tpu.memory_space<vmem>>, %arg12: memref<!tpu.dma_semaphore, #tpu.memory_space<semaphore_mem>>, %arg13: memref<!tpu.dma_semaphore, #tpu.memory_space<semaphore_mem>>, %arg14: memref<!tpu.dma_semaphore, #tpu.memory_space<semaphore_mem>>, %arg15: memref<!tpu.dma_semaphore, #tpu.memory_space<semaphore_mem>>, %arg16: memref<!tpu.dma_semaphore, #tpu.memory_space<semaphore_mem>>, %arg17: memref<!tpu.dma_semaphore, #tpu.memory_space<semaphore_mem>>, %arg18: memref<!tpu.dma_semaphore, #tpu.memory_space<semaphore_mem>>, %arg19: memref<!tpu.dma_semaphore, #tpu.memory_space<semaphore_mem>>) attributes {dimension_semantics = [#tpu.dimension_semantics<core_parallel>, #tpu.dimension_semantics<subcore_parallel>], iteration_bounds = array<i64: 2, 16>, scalar_prefetch = 0 : i64, scratch_operands = 14 : i64, tpu.core_type = #tpu.core_type<sc_vector_subcore>, window_params = [{transform_indices = #map}, {transform_indices = #map}, {transform_indices = #map}, {transform_indices = #map}]} {
    %mul3A = arith.constant 2 : i32
    %mul3A_0 = arith.muli %arg1, %mul3A : i32
    %add3A = arith.addi %mul3A_0, %arg0 : i32
    %mul3A_1 = arith.constant 200 : i32
    %mul3A_2 = arith.muli %add3A, %mul3A_1 : i32
    "tpu.region"() ({
      %run_scoped3A = tpu.sem_alloc : memref<!tpu.dma_semaphore, #tpu.memory_space<semaphore_mem>>
      %dma_start3A_112 = arith.constant 0 : i32
      %dma_start3A_113 = tpu.memref_slice %arg2[%mul3A_2, %dma_start3A_112] : memref<6400x128xi32, #tpu.memory_space<hbm>> -> memref<200x128xi32, #tpu.memory_space<hbm>>
      %dma_start3A_114 = arith.constant 0 : i32
      %dma_start3A_115 = tpu.memref_slice %arg2[%mul3A_2, %dma_start3A_114] : memref<6400x128xi32, #tpu.memory_space<hbm>> -> memref<200x128xi32, #tpu.memory_space<hbm>>
      tpu.enqueue_dma source(%dma_start3A_115 : memref<200x128xi32, #tpu.memory_space<hbm>>) target(%arg6 : memref<200x128xi32, #tpu.memory_space<vmem>>) target_semaphore(%run_scoped3A : memref<!tpu.dma_semaphore, #tpu.memory_space<semaphore_mem>>)
      %dma_wait3A_116 = arith.constant 0 : i32
      %dma_wait3A_117 = tpu.memref_slice %arg2[%mul3A_2, %dma_wait3A_116] : memref<6400x128xi32, #tpu.memory_space<hbm>> -> memref<200x128xi32, #tpu.memory_space<hbm>>
      %dma_wait3A_118 = arith.constant 0 : i32
      %dma_wait3A_119 = tpu.memref_slice %arg2[%mul3A_2, %dma_wait3A_118] : memref<6400x128xi32, #tpu.memory_space<hbm>> -> memref<200x128xi32, #tpu.memory_space<hbm>>
      tpu.wait_dma2 semaphore(%run_scoped3A : memref<!tpu.dma_semaphore, #tpu.memory_space<semaphore_mem>>) src(%dma_wait3A_119 : memref<200x128xi32, #tpu.memory_space<hbm>>) dst(%arg6 : memref<200x128xi32, #tpu.memory_space<vmem>>)
      tpu.yield
    }) : () -> ()
    "tpu.region"() ({
      %run_scoped3A = tpu.sem_alloc : memref<!tpu.dma_semaphore, #tpu.memory_space<semaphore_mem>>
      %dma_start3A_112 = arith.constant 0 : i32
      %dma_start3A_113 = tpu.memref_slice %arg3[%mul3A_2, %dma_start3A_112] : memref<6400x128xi32, #tpu.memory_space<hbm>> -> memref<200x128xi32, #tpu.memory_space<hbm>>
      %dma_start3A_114 = arith.constant 0 : i32
      %dma_start3A_115 = tpu.memref_slice %arg3[%mul3A_2, %dma_start3A_114] : memref<6400x128xi32, #tpu.memory_space<hbm>> -> memref<200x128xi32, #tpu.memory_space<hbm>>
      tpu.enqueue_dma source(%dma_start3A_115 : memref<200x128xi32, #tpu.memory_space<hbm>>) target(%arg7 : memref<200x128xi32, #tpu.memory_space<vmem>>) target_semaphore(%run_scoped3A : memref<!tpu.dma_semaphore, #tpu.memory_space<semaphore_mem>>)
      %dma_wait3A_116 = arith.constant 0 : i32
      %dma_wait3A_117 = tpu.memref_slice %arg3[%mul3A_2, %dma_wait3A_116] : memref<6400x128xi32, #tpu.memory_space<hbm>> -> memref<200x128xi32, #tpu.memory_space<hbm>>
      %dma_wait3A_118 = arith.constant 0 : i32
      %dma_wait3A_119 = tpu.memref_slice %arg3[%mul3A_2, %dma_wait3A_118] : memref<6400x128xi32, #tpu.memory_space<hbm>> -> memref<200x128xi32, #tpu.memory_space<hbm>>
      tpu.wait_dma2 semaphore(%run_scoped3A : memref<!tpu.dma_semaphore, #tpu.memory_space<semaphore_mem>>) src(%dma_wait3A_119 : memref<200x128xi32, #tpu.memory_space<hbm>>) dst(%arg7 : memref<200x128xi32, #tpu.memory_space<vmem>>)
      tpu.yield
    }) : () -> ()
    %scan3A = arith.constant 0 : i32
    %scan3A_3 = arith.constant 0 : i32
    %scan3A_4 = arith.constant 200 : i32
    %scan3A_5 = arith.addi %scan3A_3, %scan3A_4 : i32
    %scan3A_6 = arith.constant 1 : i32
    scf.for %scan3A_112 = %scan3A_3 to %scan3A_5 step %scan3A_6  : i32 {
      %get3A = arith.index_cast %scan3A_112 : i32 to index
      %get3A_113 = arith.constant 0 : index
      %get3A_114 = tpu.vector_load %arg6[%get3A, %get3A_113] {strides = array<i32>} : memref<200x128xi32, #tpu.memory_space<vmem>>, vector<1x16xi32>,
      %get3A_115 = vector.shape_cast %get3A_114 : vector<1x16xi32> to vector<16xi32>
      %get3A_116 = arith.index_cast %scan3A_112 : i32 to index
      %get3A_117 = arith.constant 0 : index
      %get3A_118 = tpu.vector_load %arg7[%get3A_116, %get3A_117] {strides = array<i32>} : memref<200x128xi32, #tpu.memory_space<vmem>>, vector<1x16xi32>,
      %get3A_119 = vector.shape_cast %get3A_118 : vector<1x16xi32> to vector<16xi32>
      %add3A_120 = arith.addi %get3A_115, %get3A_119 : vector<16xi32>
      %swap3A = arith.index_cast %scan3A_112 : i32 to index
      %swap3A_121 = arith.constant 0 : index
      %swap3A_122 = tpu.vector_load %arg6[%swap3A, %swap3A_121] {strides = array<i32>} : memref<200x128xi32, #tpu.memory_space<vmem>>, vector<1x16xi32>,
      %swap3A_123 = vector.shape_cast %swap3A_122 : vector<1x16xi32> to vector<16xi32>
      %swap3A_124 = vector.shape_cast %add3A_120 : vector<16xi32> to vector<1x16xi32>
      tpu.vector_store %arg6[%swap3A, %swap3A_121], %swap3A_124 {strides = array<i32>} : memref<200x128xi32, #tpu.memory_space<vmem>>, vector<1x16xi32>,
      %get3A_125 = arith.index_cast %scan3A_112 : i32 to index
      %get3A_126 = arith.constant 16 : index
      %get3A_127 = tpu.vector_load %arg6[%get3A_125, %get3A_126] {strides = array<i32>} : memref<200x128xi32, #tpu.memory_space<vmem>>, vector<1x16xi32>,
      %get3A_128 = vector.shape_cast %get3A_127 : vector<1x16xi32> to vector<16xi32>
      %get3A_129 = arith.index_cast %scan3A_112 : i32 to index
      %get3A_130 = arith.constant 16 : index
      %get3A_131 = tpu.vector_load %arg7[%get3A_129, %get3A_130] {strides = array<i32>} : memref<200x128xi32, #tpu.memory_space<vmem>>, vector<1x16xi32>,
      %get3A_132 = vector.shape_cast %get3A_131 : vector<1x16xi32> to vector<16xi32>
      %add3A_133 = arith.addi %get3A_128, %get3A_132 : vector<16xi32>
      %swap3A_134 = arith.index_cast %scan3A_112 : i32 to index
      %swap3A_135 = arith.constant 16 : index
      %swap3A_136 = tpu.vector_load %arg6[%swap3A_134, %swap3A_135] {strides = array<i32>} : memref<200x128xi32, #tpu.memory_space<vmem>>, vector<1x16xi32>,
      %swap3A_137 = vector.shape_cast %swap3A_136 : vector<1x16xi32> to vector<16xi32>
      %swap3A_138 = vector.shape_cast %add3A_133 : vector<16xi32> to vector<1x16xi32>
      tpu.vector_store %arg6[%swap3A_134, %swap3A_135], %swap3A_138 {strides = array<i32>} : memref<200x128xi32, #tpu.memory_space<vmem>>, vector<1x16xi32>,
      %get3A_139 = arith.index_cast %scan3A_112 : i32 to index
      %get3A_140 = arith.constant 32 : index
      %get3A_141 = tpu.vector_load %arg6[%get3A_139, %get3A_140] {strides = array<i32>} : memref<200x128xi32, #tpu.memory_space<vmem>>, vector<1x16xi32>,
      %get3A_142 = vector.shape_cast %get3A_141 : vector<1x16xi32> to vector<16xi32>
      %get3A_143 = arith.index_cast %scan3A_112 : i32 to index
      %get3A_144 = arith.constant 32 : index
      %get3A_145 = tpu.vector_load %arg7[%get3A_143, %get3A_144] {strides = array<i32>} : memref<200x128xi32, #tpu.memory_space<vmem>>, vector<1x16xi32>,
      %get3A_146 = vector.shape_cast %get3A_145 : vector<1x16xi32> to vector<16xi32>
      %add3A_147 = arith.addi %get3A_142, %get3A_146 : vector<16xi32>
      %swap3A_148 = arith.index_cast %scan3A_112 : i32 to index
      %swap3A_149 = arith.constant 32 : index
      %swap3A_150 = tpu.vector_load %arg6[%swap3A_148, %swap3A_149] {strides = array<i32>} : memref<200x128xi32, #tpu.memory_space<vmem>>, vector<1x16xi32>,
      %swap3A_151 = vector.shape_cast %swap3A_150 : vector<1x16xi32> to vector<16xi32>
      %swap3A_152 = vector.shape_cast %add3A_147 : vector<16xi32> to vector<1x16xi32>
      tpu.vector_store %arg6[%swap3A_148, %swap3A_149], %swap3A_152 {strides = array<i32>} : memref<200x128xi32, #tpu.memory_space<vmem>>, vector<1x16xi32>,
      %get3A_153 = arith.index_cast %scan3A_112 : i32 to index
      %get3A_154 = arith.constant 48 : index
      %get3A_155 = tpu.vector_load %arg6[%get3A_153, %get3A_154] {strides = array<i32>} : memref<200x128xi32, #tpu.memory_space<vmem>>, vector<1x16xi32>,
      %get3A_156 = vector.shape_cast %get3A_155 : vector<1x16xi32> to vector<16xi32>
      %get3A_157 = arith.index_cast %scan3A_112 : i32 to index
      %get3A_158 = arith.constant 48 : index
      %get3A_159 = tpu.vector_load %arg7[%get3A_157, %get3A_158] {strides = array<i32>} : memref<200x128xi32, #tpu.memory_space<vmem>>, vector<1x16xi32>,
      %get3A_160 = vector.shape_cast %get3A_159 : vector<1x16xi32> to vector<16xi32>
      %add3A_161 = arith.addi %get3A_156, %get3A_160 : vector<16xi32>
      %swap3A_162 = arith.index_cast %scan3A_112 : i32 to index
      %swap3A_163 = arith.constant 48 : index
      %swap3A_164 = tpu.vector_load %arg6[%swap3A_162, %swap3A_163] {strides = array<i32>} : memref<200x128xi32, #tpu.memory_space<vmem>>, vector<1x16xi32>,
      %swap3A_165 = vector.shape_cast %swap3A_164 : vector<1x16xi32> to vector<16xi32>
      %swap3A_166 = vector.shape_cast %add3A_161 : vector<16xi32> to vector<1x16xi32>
      tpu.vector_store %arg6[%swap3A_162, %swap3A_163], %swap3A_166 {strides = array<i32>} : memref<200x128xi32, #tpu.memory_space<vmem>>, vector<1x16xi32>,
      %get3A_167 = arith.index_cast %scan3A_112 : i32 to index
      %get3A_168 = arith.constant 64 : index
      %get3A_169 = tpu.vector_load %arg6[%get3A_167, %get3A_168] {strides = array<i32>} : memref<200x128xi32, #tpu.memory_space<vmem>>, vector<1x16xi32>,
      %get3A_170 = vector.shape_cast %get3A_169 : vector<1x16xi32> to vector<16xi32>
      %get3A_171 = arith.index_cast %scan3A_112 : i32 to index
      %get3A_172 = arith.constant 64 : index
      %get3A_173 = tpu.vector_load %arg7[%get3A_171, %get3A_172] {strides = array<i32>} : memref<200x128xi32, #tpu.memory_space<vmem>>, vector<1x16xi32>,
      %get3A_174 = vector.shape_cast %get3A_173 : vector<1x16xi32> to vector<16xi32>
      %add3A_175 = arith.addi %get3A_170, %get3A_174 : vector<16xi32>
      %swap3A_176 = arith.index_cast %scan3A_112 : i32 to index
      %swap3A_177 = arith.constant 64 : index
      %swap3A_178 = tpu.vector_load %arg6[%swap3A_176, %swap3A_177] {strides = array<i32>} : memref<200x128xi32, #tpu.memory_space<vmem>>, vector<1x16xi32>,
      %swap3A_179 = vector.shape_cast %swap3A_178 : vector<1x16xi32> to vector<16xi32>
      %swap3A_180 = vector.shape_cast %add3A_175 : vector<16xi32> to vector<1x16xi32>
      tpu.vector_store %arg6[%swap3A_176, %swap3A_177], %swap3A_180 {strides = array<i32>} : memref<200x128xi32, #tpu.memory_space<vmem>>, vector<1x16xi32>,
      %get3A_181 = arith.index_cast %scan3A_112 : i32 to index
      %get3A_182 = arith.constant 80 : index
      %get3A_183 = tpu.vector_load %arg6[%get3A_181, %get3A_182] {strides = array<i32>} : memref<200x128xi32, #tpu.memory_space<vmem>>, vector<1x16xi32>,
      %get3A_184 = vector.shape_cast %get3A_183 : vector<1x16xi32> to vector<16xi32>
      %get3A_185 = arith.index_cast %scan3A_112 : i32 to index
      %get3A_186 = arith.constant 80 : index
      %get3A_187 = tpu.vector_load %arg7[%get3A_185, %get3A_186] {strides = array<i32>} : memref<200x128xi32, #tpu.memory_space<vmem>>, vector<1x16xi32>,
      %get3A_188 = vector.shape_cast %get3A_187 : vector<1x16xi32> to vector<16xi32>
      %add3A_189 = arith.addi %get3A_184, %get3A_188 : vector<16xi32>
      %swap3A_190 = arith.index_cast %scan3A_112 : i32 to index
      %swap3A_191 = arith.constant 80 : index
      %swap3A_192 = tpu.vector_load %arg6[%swap3A_190, %swap3A_191] {strides = array<i32>} : memref<200x128xi32, #tpu.memory_space<vmem>>, vector<1x16xi32>,
      %swap3A_193 = vector.shape_cast %swap3A_192 : vector<1x16xi32> to vector<16xi32>
      %swap3A_194 = vector.shape_cast %add3A_189 : vector<16xi32> to vector<1x16xi32>
      tpu.vector_store %arg6[%swap3A_190, %swap3A_191], %swap3A_194 {strides = array<i32>} : memref<200x128xi32, #tpu.memory_space<vmem>>, vector<1x16xi32>,
      %get3A_195 = arith.index_cast %scan3A_112 : i32 to index
      %get3A_196 = arith.constant 96 : index
      %get3A_197 = tpu.vector_load %arg6[%get3A_195, %get3A_196] {strides = array<i32>} : memref<200x128xi32, #tpu.memory_space<vmem>>, vector<1x16xi32>,
      %get3A_198 = vector.shape_cast %get3A_197 : vector<1x16xi32> to vector<16xi32>
      %get3A_199 = arith.index_cast %scan3A_112 : i32 to index
      %get3A_200 = arith.constant 96 : index
      %get3A_201 = tpu.vector_load %arg7[%get3A_199, %get3A_200] {strides = array<i32>} : memref<200x128xi32, #tpu.memory_space<vmem>>, vector<1x16xi32>,
      %get3A_202 = vector.shape_cast %get3A_201 : vector<1x16xi32> to vector<16xi32>
      %add3A_203 = arith.addi %get3A_198, %get3A_202 : vector<16xi32>
      %swap3A_204 = arith.index_cast %scan3A_112 : i32 to index
      %swap3A_205 = arith.constant 96 : index
      %swap3A_206 = tpu.vector_load %arg6[%swap3A_204, %swap3A_205] {strides = array<i32>} : memref<200x128xi32, #tpu.memory_space<vmem>>, vector<1x16xi32>,
      %swap3A_207 = vector.shape_cast %swap3A_206 : vector<1x16xi32> to vector<16xi32>
      %swap3A_208 = vector.shape_cast %add3A_203 : vector<16xi32> to vector<1x16xi32>
      tpu.vector_store %arg6[%swap3A_204, %swap3A_205], %swap3A_208 {strides = array<i32>} : memref<200x128xi32, #tpu.memory_space<vmem>>, vector<1x16xi32>,
      %get3A_209 = arith.index_cast %scan3A_112 : i32 to index
      %get3A_210 = arith.constant 112 : index
      %get3A_211 = tpu.vector_load %arg6[%get3A_209, %get3A_210] {strides = array<i32>} : memref<200x128xi32, #tpu.memory_space<vmem>>, vector<1x16xi32>,
      %get3A_212 = vector.shape_cast %get3A_211 : vector<1x16xi32> to vector<16xi32>
      %get3A_213 = arith.index_cast %scan3A_112 : i32 to index
      %get3A_214 = arith.constant 112 : index
      %get3A_215 = tpu.vector_load %arg7[%get3A_213, %get3A_214] {strides = array<i32>} : memref<200x128xi32, #tpu.memory_space<vmem>>, vector<1x16xi32>,
      %get3A_216 = vector.shape_cast %get3A_215 : vector<1x16xi32> to vector<16xi32>
      %add3A_217 = arith.addi %get3A_212, %get3A_216 : vector<16xi32>
      %swap3A_218 = arith.index_cast %scan3A_112 : i32 to index
      %swap3A_219 = arith.constant 112 : index
      %swap3A_220 = tpu.vector_load %arg6[%swap3A_218, %swap3A_219] {strides = array<i32>} : memref<200x128xi32, #tpu.memory_space<vmem>>, vector<1x16xi32>,
      %swap3A_221 = vector.shape_cast %swap3A_220 : vector<1x16xi32> to vector<16xi32>
      %swap3A_222 = vector.shape_cast %add3A_217 : vector<16xi32> to vector<1x16xi32>
      tpu.vector_store %arg6[%swap3A_218, %swap3A_219], %swap3A_222 {strides = array<i32>} : memref<200x128xi32, #tpu.memory_space<vmem>>, vector<1x16xi32>,
    }
    %scan3A_7 = arith.constant 200 : i32
    %dma_start3A = arith.constant 0 : i32
    %dma_start3A_8 = arith.constant 0 : i32
    %dma_start3A_9 = tpu.memref_slice %arg6[%dma_start3A, %dma_start3A_8] : memref<200x128xi32, #tpu.memory_space<vmem>> -> memref<1x128xi32, #tpu.memory_space<vmem>>
    %dma_start3A_10 = tpu.memref_squeeze %dma_start3A_9 : memref<1x128xi32, #tpu.memory_space<vmem>> -> memref<128xi32, #tpu.memory_space<vmem>>
    %dma_start3A_11 = arith.constant 0 : i32
    %dma_start3A_12 = arith.constant 0 : i32
    %dma_start3A_13 = tpu.memref_slice %arg4[%dma_start3A_11, %dma_start3A_12] : memref<100000x128xf32, #tpu.memory_space<hbm>> -> memref<100000x128xf32, #tpu.memory_space<hbm>>
    tpu.enqueue_indirect_dma source(%dma_start3A_13 : memref<100000x128xf32, #tpu.memory_space<hbm>>) target(%arg8 : memref<128x128xf32, #tpu.memory_space<vmem>>) offsets(%dma_start3A_10 : memref<128xi32, #tpu.memory_space<vmem>>) semaphore(%arg12 : memref<!tpu.dma_semaphore, #tpu.memory_space<semaphore_mem>>)
    %dma_start3A_14 = arith.constant 1 : i32
    %dma_start3A_15 = arith.constant 0 : i32
    %dma_start3A_16 = tpu.memref_slice %arg6[%dma_start3A_14, %dma_start3A_15] : memref<200x128xi32, #tpu.memory_space<vmem>> -> memref<1x128xi32, #tpu.memory_space<vmem>>
    %dma_start3A_17 = tpu.memref_squeeze %dma_start3A_16 : memref<1x128xi32, #tpu.memory_space<vmem>> -> memref<128xi32, #tpu.memory_space<vmem>>
    %dma_start3A_18 = arith.constant 0 : i32
    %dma_start3A_19 = arith.constant 0 : i32
    %dma_start3A_20 = tpu.memref_slice %arg4[%dma_start3A_18, %dma_start3A_19] : memref<100000x128xf32, #tpu.memory_space<hbm>> -> memref<100000x128xf32, #tpu.memory_space<hbm>>
    tpu.enqueue_indirect_dma source(%dma_start3A_20 : memref<100000x128xf32, #tpu.memory_space<hbm>>) target(%arg9 : memref<128x128xf32, #tpu.memory_space<vmem>>) offsets(%dma_start3A_17 : memref<128xi32, #tpu.memory_space<vmem>>) semaphore(%arg13 : memref<!tpu.dma_semaphore, #tpu.memory_space<semaphore_mem>>)
    %dma_start3A_21 = arith.constant 2 : i32
    %dma_start3A_22 = arith.constant 0 : i32
    %dma_start3A_23 = tpu.memref_slice %arg6[%dma_start3A_21, %dma_start3A_22] : memref<200x128xi32, #tpu.memory_space<vmem>> -> memref<1x128xi32, #tpu.memory_space<vmem>>
    %dma_start3A_24 = tpu.memref_squeeze %dma_start3A_23 : memref<1x128xi32, #tpu.memory_space<vmem>> -> memref<128xi32, #tpu.memory_space<vmem>>
    %dma_start3A_25 = arith.constant 0 : i32
    %dma_start3A_26 = arith.constant 0 : i32
    %dma_start3A_27 = tpu.memref_slice %arg4[%dma_start3A_25, %dma_start3A_26] : memref<100000x128xf32, #tpu.memory_space<hbm>> -> memref<100000x128xf32, #tpu.memory_space<hbm>>
    tpu.enqueue_indirect_dma source(%dma_start3A_27 : memref<100000x128xf32, #tpu.memory_space<hbm>>) target(%arg10 : memref<128x128xf32, #tpu.memory_space<vmem>>) offsets(%dma_start3A_24 : memref<128xi32, #tpu.memory_space<vmem>>) semaphore(%arg14 : memref<!tpu.dma_semaphore, #tpu.memory_space<semaphore_mem>>)
    %dma_start3A_28 = arith.constant 3 : i32
    %dma_start3A_29 = arith.constant 0 : i32
    %dma_start3A_30 = tpu.memref_slice %arg6[%dma_start3A_28, %dma_start3A_29] : memref<200x128xi32, #tpu.memory_space<vmem>> -> memref<1x128xi32, #tpu.memory_space<vmem>>
    %dma_start3A_31 = tpu.memref_squeeze %dma_start3A_30 : memref<1x128xi32, #tpu.memory_space<vmem>> -> memref<128xi32, #tpu.memory_space<vmem>>
    %dma_start3A_32 = arith.constant 0 : i32
    %dma_start3A_33 = arith.constant 0 : i32
    %dma_start3A_34 = tpu.memref_slice %arg4[%dma_start3A_32, %dma_start3A_33] : memref<100000x128xf32, #tpu.memory_space<hbm>> -> memref<100000x128xf32, #tpu.memory_space<hbm>>
    tpu.enqueue_indirect_dma source(%dma_start3A_34 : memref<100000x128xf32, #tpu.memory_space<hbm>>) target(%arg11 : memref<128x128xf32, #tpu.memory_space<vmem>>) offsets(%dma_start3A_31 : memref<128xi32, #tpu.memory_space<vmem>>) semaphore(%arg15 : memref<!tpu.dma_semaphore, #tpu.memory_space<semaphore_mem>>)
    %scan3A_35 = arith.constant 0 : i32
    %scan3A_36 = arith.constant 0 : i32
    %scan3A_37 = arith.constant 49 : i32
    %scan3A_38 = arith.addi %scan3A_36, %scan3A_37 : i32
    %scan3A_39 = arith.constant 1 : i32
    scf.for %scan3A_112 = %scan3A_36 to %scan3A_38 step %scan3A_39  : i32 {
      %mul3A_113 = arith.constant 4 : i32
      %mul3A_114 = arith.muli %scan3A_112, %mul3A_113 : i32
      %dma_wait3A_115 = arith.constant 0 : i32
      %dma_wait3A_116 = arith.constant 0 : i32
      %dma_wait3A_117 = tpu.memref_slice %arg4[%dma_wait3A_115, %dma_wait3A_116] : memref<100000x128xf32, #tpu.memory_space<hbm>> -> memref<128x128xf32, #tpu.memory_space<hbm>>
      %dma_wait3A_118 = arith.constant 0 : i32
      %dma_wait3A_119 = arith.constant 0 : i32
      %dma_wait3A_120 = tpu.memref_slice %arg4[%dma_wait3A_118, %dma_wait3A_119] : memref<100000x128xf32, #tpu.memory_space<hbm>> -> memref<128x128xf32, #tpu.memory_space<hbm>>
      tpu.wait_dma2 semaphore(%arg12 : memref<!tpu.dma_semaphore, #tpu.memory_space<semaphore_mem>>) src(%dma_wait3A_120 : memref<128x128xf32, #tpu.memory_space<hbm>>) dst(%arg8 : memref<128x128xf32, #tpu.memory_space<vmem>>)
      %add3A_121 = arith.constant 0 : i32
      %add3A_122 = arith.addi %mul3A_114, %add3A_121 : i32
      %add3A_123 = arith.addi %mul3A_2, %add3A_122 : i32
      %mul3A_124 = arith.constant 128 : i32
      %mul3A_125 = arith.muli %add3A_123, %mul3A_124 : i32
      %dma_start3A_126 = arith.constant 0 : i32
      %dma_start3A_127 = tpu.memref_slice %arg5[%mul3A_125, %dma_start3A_126] : memref<819200x128xf32, #tpu.memory_space<hbm>> -> memref<128x128xf32, #tpu.memory_space<hbm>>
      %dma_start3A_128 = arith.constant 0 : i32
      %dma_start3A_129 = tpu.memref_slice %arg5[%mul3A_125, %dma_start3A_128] : memref<819200x128xf32, #tpu.memory_space<hbm>> -> memref<128x128xf32, #tpu.memory_space<hbm>>
      tpu.enqueue_dma source(%arg8 : memref<128x128xf32, #tpu.memory_space<vmem>>) target(%dma_start3A_129 : memref<128x128xf32, #tpu.memory_space<hbm>>) target_semaphore(%arg16 : memref<!tpu.dma_semaphore, #tpu.memory_space<semaphore_mem>>)
      %dma_wait3A_130 = arith.constant 0 : i32
      %dma_wait3A_131 = tpu.memref_slice %arg5[%mul3A_125, %dma_wait3A_130] : memref<819200x128xf32, #tpu.memory_space<hbm>> -> memref<128x128xf32, #tpu.memory_space<hbm>>
      %dma_wait3A_132 = arith.constant 0 : i32
      %dma_wait3A_133 = tpu.memref_slice %arg5[%mul3A_125, %dma_wait3A_132] : memref<819200x128xf32, #tpu.memory_space<hbm>> -> memref<128x128xf32, #tpu.memory_space<hbm>>
      tpu.wait_dma2 semaphore(%arg16 : memref<!tpu.dma_semaphore, #tpu.memory_space<semaphore_mem>>) src(%arg8 : memref<128x128xf32, #tpu.memory_space<vmem>>) dst(%dma_wait3A_133 : memref<128x128xf32, #tpu.memory_space<hbm>>)
      %add3A_134 = arith.constant 0 : i32
      %add3A_135 = arith.addi %mul3A_114, %add3A_134 : i32
      %add3A_136 = arith.constant 4 : i32
      %add3A_137 = arith.addi %add3A_135, %add3A_136 : i32
      %dma_start3A_138 = arith.constant 0 : i32
      %dma_start3A_139 = tpu.memref_slice %arg6[%add3A_137, %dma_start3A_138] : memref<200x128xi32, #tpu.memory_space<vmem>> -> memref<1x128xi32, #tpu.memory_space<vmem>>
      %dma_start3A_140 = tpu.memref_squeeze %dma_start3A_139 : memref<1x128xi32, #tpu.memory_space<vmem>> -> memref<128xi32, #tpu.memory_space<vmem>>
      %dma_start3A_141 = arith.constant 0 : i32
      %dma_start3A_142 = arith.constant 0 : i32
      %dma_start3A_143 = tpu.memref_slice %arg4[%dma_start3A_141, %dma_start3A_142] : memref<100000x128xf32, #tpu.memory_space<hbm>> -> memref<100000x128xf32, #tpu.memory_space<hbm>>
      tpu.enqueue_indirect_dma source(%dma_start3A_143 : memref<100000x128xf32, #tpu.memory_space<hbm>>) target(%arg8 : memref<128x128xf32, #tpu.memory_space<vmem>>) offsets(%dma_start3A_140 : memref<128xi32, #tpu.memory_space<vmem>>) semaphore(%arg12 : memref<!tpu.dma_semaphore, #tpu.memory_space<semaphore_mem>>)
      %dma_wait3A_144 = arith.constant 0 : i32
      %dma_wait3A_145 = arith.constant 0 : i32
      %dma_wait3A_146 = tpu.memref_slice %arg4[%dma_wait3A_144, %dma_wait3A_145] : memref<100000x128xf32, #tpu.memory_space<hbm>> -> memref<128x128xf32, #tpu.memory_space<hbm>>
      %dma_wait3A_147 = arith.constant 0 : i32
      %dma_wait3A_148 = arith.constant 0 : i32
      %dma_wait3A_149 = tpu.memref_slice %arg4[%dma_wait3A_147, %dma_wait3A_148] : memref<100000x128xf32, #tpu.memory_space<hbm>> -> memref<128x128xf32, #tpu.memory_space<hbm>>
      tpu.wait_dma2 semaphore(%arg13 : memref<!tpu.dma_semaphore, #tpu.memory_space<semaphore_mem>>) src(%dma_wait3A_149 : memref<128x128xf32, #tpu.memory_space<hbm>>) dst(%arg9 : memref<128x128xf32, #tpu.memory_space<vmem>>)
      %add3A_150 = arith.constant 1 : i32
      %add3A_151 = arith.addi %mul3A_114, %add3A_150 : i32
      %add3A_152 = arith.addi %mul3A_2, %add3A_151 : i32
      %mul3A_153 = arith.constant 128 : i32
      %mul3A_154 = arith.muli %add3A_152, %mul3A_153 : i32
      %dma_start3A_155 = arith.constant 0 : i32
      %dma_start3A_156 = tpu.memref_slice %arg5[%mul3A_154, %dma_start3A_155] : memref<819200x128xf32, #tpu.memory_space<hbm>> -> memref<128x128xf32, #tpu.memory_space<hbm>>
      %dma_start3A_157 = arith.constant 0 : i32
      %dma_start3A_158 = tpu.memref_slice %arg5[%mul3A_154, %dma_start3A_157] : memref<819200x128xf32, #tpu.memory_space<hbm>> -> memref<128x128xf32, #tpu.memory_space<hbm>>
      tpu.enqueue_dma source(%arg9 : memref<128x128xf32, #tpu.memory_space<vmem>>) target(%dma_start3A_158 : memref<128x128xf32, #tpu.memory_space<hbm>>) target_semaphore(%arg17 : memref<!tpu.dma_semaphore, #tpu.memory_space<semaphore_mem>>)
      %dma_wait3A_159 = arith.constant 0 : i32
      %dma_wait3A_160 = tpu.memref_slice %arg5[%mul3A_154, %dma_wait3A_159] : memref<819200x128xf32, #tpu.memory_space<hbm>> -> memref<128x128xf32, #tpu.memory_space<hbm>>
      %dma_wait3A_161 = arith.constant 0 : i32
      %dma_wait3A_162 = tpu.memref_slice %arg5[%mul3A_154, %dma_wait3A_161] : memref<819200x128xf32, #tpu.memory_space<hbm>> -> memref<128x128xf32, #tpu.memory_space<hbm>>
      tpu.wait_dma2 semaphore(%arg17 : memref<!tpu.dma_semaphore, #tpu.memory_space<semaphore_mem>>) src(%arg9 : memref<128x128xf32, #tpu.memory_space<vmem>>) dst(%dma_wait3A_162 : memref<128x128xf32, #tpu.memory_space<hbm>>)
      %add3A_163 = arith.constant 1 : i32
      %add3A_164 = arith.addi %mul3A_114, %add3A_163 : i32
      %add3A_165 = arith.constant 4 : i32
      %add3A_166 = arith.addi %add3A_164, %add3A_165 : i32
      %dma_start3A_167 = arith.constant 0 : i32
      %dma_start3A_168 = tpu.memref_slice %arg6[%add3A_166, %dma_start3A_167] : memref<200x128xi32, #tpu.memory_space<vmem>> -> memref<1x128xi32, #tpu.memory_space<vmem>>
      %dma_start3A_169 = tpu.memref_squeeze %dma_start3A_168 : memref<1x128xi32, #tpu.memory_space<vmem>> -> memref<128xi32, #tpu.memory_space<vmem>>
      %dma_start3A_170 = arith.constant 0 : i32
      %dma_start3A_171 = arith.constant 0 : i32
      %dma_start3A_172 = tpu.memref_slice %arg4[%dma_start3A_170, %dma_start3A_171] : memref<100000x128xf32, #tpu.memory_space<hbm>> -> memref<100000x128xf32, #tpu.memory_space<hbm>>
      tpu.enqueue_indirect_dma source(%dma_start3A_172 : memref<100000x128xf32, #tpu.memory_space<hbm>>) target(%arg9 : memref<128x128xf32, #tpu.memory_space<vmem>>) offsets(%dma_start3A_169 : memref<128xi32, #tpu.memory_space<vmem>>) semaphore(%arg13 : memref<!tpu.dma_semaphore, #tpu.memory_space<semaphore_mem>>)
      %dma_wait3A_173 = arith.constant 0 : i32
      %dma_wait3A_174 = arith.constant 0 : i32
      %dma_wait3A_175 = tpu.memref_slice %arg4[%dma_wait3A_173, %dma_wait3A_174] : memref<100000x128xf32, #tpu.memory_space<hbm>> -> memref<128x128xf32, #tpu.memory_space<hbm>>
      %dma_wait3A_176 = arith.constant 0 : i32
      %dma_wait3A_177 = arith.constant 0 : i32
      %dma_wait3A_178 = tpu.memref_slice %arg4[%dma_wait3A_176, %dma_wait3A_177] : memref<100000x128xf32, #tpu.memory_space<hbm>> -> memref<128x128xf32, #tpu.memory_space<hbm>>
      tpu.wait_dma2 semaphore(%arg14 : memref<!tpu.dma_semaphore, #tpu.memory_space<semaphore_mem>>) src(%dma_wait3A_178 : memref<128x128xf32, #tpu.memory_space<hbm>>) dst(%arg10 : memref<128x128xf32, #tpu.memory_space<vmem>>)
      %add3A_179 = arith.constant 2 : i32
      %add3A_180 = arith.addi %mul3A_114, %add3A_179 : i32
      %add3A_181 = arith.addi %mul3A_2, %add3A_180 : i32
      %mul3A_182 = arith.constant 128 : i32
      %mul3A_183 = arith.muli %add3A_181, %mul3A_182 : i32
      %dma_start3A_184 = arith.constant 0 : i32
      %dma_start3A_185 = tpu.memref_slice %arg5[%mul3A_183, %dma_start3A_184] : memref<819200x128xf32, #tpu.memory_space<hbm>> -> memref<128x128xf32, #tpu.memory_space<hbm>>
      %dma_start3A_186 = arith.constant 0 : i32
      %dma_start3A_187 = tpu.memref_slice %arg5[%mul3A_183, %dma_start3A_186] : memref<819200x128xf32, #tpu.memory_space<hbm>> -> memref<128x128xf32, #tpu.memory_space<hbm>>
      tpu.enqueue_dma source(%arg10 : memref<128x128xf32, #tpu.memory_space<vmem>>) target(%dma_start3A_187 : memref<128x128xf32, #tpu.memory_space<hbm>>) target_semaphore(%arg18 : memref<!tpu.dma_semaphore, #tpu.memory_space<semaphore_mem>>)
      %dma_wait3A_188 = arith.constant 0 : i32
      %dma_wait3A_189 = tpu.memref_slice %arg5[%mul3A_183, %dma_wait3A_188] : memref<819200x128xf32, #tpu.memory_space<hbm>> -> memref<128x128xf32, #tpu.memory_space<hbm>>
      %dma_wait3A_190 = arith.constant 0 : i32
      %dma_wait3A_191 = tpu.memref_slice %arg5[%mul3A_183, %dma_wait3A_190] : memref<819200x128xf32, #tpu.memory_space<hbm>> -> memref<128x128xf32, #tpu.memory_space<hbm>>
      tpu.wait_dma2 semaphore(%arg18 : memref<!tpu.dma_semaphore, #tpu.memory_space<semaphore_mem>>) src(%arg10 : memref<128x128xf32, #tpu.memory_space<vmem>>) dst(%dma_wait3A_191 : memref<128x128xf32, #tpu.memory_space<hbm>>)
      %add3A_192 = arith.constant 2 : i32
      %add3A_193 = arith.addi %mul3A_114, %add3A_192 : i32
      %add3A_194 = arith.constant 4 : i32
      %add3A_195 = arith.addi %add3A_193, %add3A_194 : i32
      %dma_start3A_196 = arith.constant 0 : i32
      %dma_start3A_197 = tpu.memref_slice %arg6[%add3A_195, %dma_start3A_196] : memref<200x128xi32, #tpu.memory_space<vmem>> -> memref<1x128xi32, #tpu.memory_space<vmem>>
      %dma_start3A_198 = tpu.memref_squeeze %dma_start3A_197 : memref<1x128xi32, #tpu.memory_space<vmem>> -> memref<128xi32, #tpu.memory_space<vmem>>
      %dma_start3A_199 = arith.constant 0 : i32
      %dma_start3A_200 = arith.constant 0 : i32
      %dma_start3A_201 = tpu.memref_slice %arg4[%dma_start3A_199, %dma_start3A_200] : memref<100000x128xf32, #tpu.memory_space<hbm>> -> memref<100000x128xf32, #tpu.memory_space<hbm>>
      tpu.enqueue_indirect_dma source(%dma_start3A_201 : memref<100000x128xf32, #tpu.memory_space<hbm>>) target(%arg10 : memref<128x128xf32, #tpu.memory_space<vmem>>) offsets(%dma_start3A_198 : memref<128xi32, #tpu.memory_space<vmem>>) semaphore(%arg14 : memref<!tpu.dma_semaphore, #tpu.memory_space<semaphore_mem>>)
      %dma_wait3A_202 = arith.constant 0 : i32
      %dma_wait3A_203 = arith.constant 0 : i32
      %dma_wait3A_204 = tpu.memref_slice %arg4[%dma_wait3A_202, %dma_wait3A_203] : memref<100000x128xf32, #tpu.memory_space<hbm>> -> memref<128x128xf32, #tpu.memory_space<hbm>>
      %dma_wait3A_205 = arith.constant 0 : i32
      %dma_wait3A_206 = arith.constant 0 : i32
      %dma_wait3A_207 = tpu.memref_slice %arg4[%dma_wait3A_205, %dma_wait3A_206] : memref<100000x128xf32, #tpu.memory_space<hbm>> -> memref<128x128xf32, #tpu.memory_space<hbm>>
      tpu.wait_dma2 semaphore(%arg15 : memref<!tpu.dma_semaphore, #tpu.memory_space<semaphore_mem>>) src(%dma_wait3A_207 : memref<128x128xf32, #tpu.memory_space<hbm>>) dst(%arg11 : memref<128x128xf32, #tpu.memory_space<vmem>>)
      %add3A_208 = arith.constant 3 : i32
      %add3A_209 = arith.addi %mul3A_114, %add3A_208 : i32
      %add3A_210 = arith.addi %mul3A_2, %add3A_209 : i32
      %mul3A_211 = arith.constant 128 : i32
      %mul3A_212 = arith.muli %add3A_210, %mul3A_211 : i32
      %dma_start3A_213 = arith.constant 0 : i32
      %dma_start3A_214 = tpu.memref_slice %arg5[%mul3A_212, %dma_start3A_213] : memref<819200x128xf32, #tpu.memory_space<hbm>> -> memref<128x128xf32, #tpu.memory_space<hbm>>
      %dma_start3A_215 = arith.constant 0 : i32
      %dma_start3A_216 = tpu.memref_slice %arg5[%mul3A_212, %dma_start3A_215] : memref<819200x128xf32, #tpu.memory_space<hbm>> -> memref<128x128xf32, #tpu.memory_space<hbm>>
      tpu.enqueue_dma source(%arg11 : memref<128x128xf32, #tpu.memory_space<vmem>>) target(%dma_start3A_216 : memref<128x128xf32, #tpu.memory_space<hbm>>) target_semaphore(%arg19 : memref<!tpu.dma_semaphore, #tpu.memory_space<semaphore_mem>>)
      %dma_wait3A_217 = arith.constant 0 : i32
      %dma_wait3A_218 = tpu.memref_slice %arg5[%mul3A_212, %dma_wait3A_217] : memref<819200x128xf32, #tpu.memory_space<hbm>> -> memref<128x128xf32, #tpu.memory_space<hbm>>
      %dma_wait3A_219 = arith.constant 0 : i32
      %dma_wait3A_220 = tpu.memref_slice %arg5[%mul3A_212, %dma_wait3A_219] : memref<819200x128xf32, #tpu.memory_space<hbm>> -> memref<128x128xf32, #tpu.memory_space<hbm>>
      tpu.wait_dma2 semaphore(%arg19 : memref<!tpu.dma_semaphore, #tpu.memory_space<semaphore_mem>>) src(%arg11 : memref<128x128xf32, #tpu.memory_space<vmem>>) dst(%dma_wait3A_220 : memref<128x128xf32, #tpu.memory_space<hbm>>)
      %add3A_221 = arith.constant 3 : i32
      %add3A_222 = arith.addi %mul3A_114, %add3A_221 : i32
      %add3A_223 = arith.constant 4 : i32
      %add3A_224 = arith.addi %add3A_222, %add3A_223 : i32
      %dma_start3A_225 = arith.constant 0 : i32
      %dma_start3A_226 = tpu.memref_slice %arg6[%add3A_224, %dma_start3A_225] : memref<200x128xi32, #tpu.memory_space<vmem>> -> memref<1x128xi32, #tpu.memory_space<vmem>>
      %dma_start3A_227 = tpu.memref_squeeze %dma_start3A_226 : memref<1x128xi32, #tpu.memory_space<vmem>> -> memref<128xi32, #tpu.memory_space<vmem>>
      %dma_start3A_228 = arith.constant 0 : i32
      %dma_start3A_229 = arith.constant 0 : i32
      %dma_start3A_230 = tpu.memref_slice %arg4[%dma_start3A_228, %dma_start3A_229] : memref<100000x128xf32, #tpu.memory_space<hbm>> -> memref<100000x128xf32, #tpu.memory_space<hbm>>
      tpu.enqueue_indirect_dma source(%dma_start3A_230 : memref<100000x128xf32, #tpu.memory_space<hbm>>) target(%arg11 : memref<128x128xf32, #tpu.memory_space<vmem>>) offsets(%dma_start3A_227 : memref<128xi32, #tpu.memory_space<vmem>>) semaphore(%arg15 : memref<!tpu.dma_semaphore, #tpu.memory_space<semaphore_mem>>)
    }
    %scan3A_40 = arith.constant 49 : i32
    %dma_wait3A = arith.constant 0 : i32
    %dma_wait3A_41 = arith.constant 0 : i32
    %dma_wait3A_42 = tpu.memref_slice %arg4[%dma_wait3A, %dma_wait3A_41] : memref<100000x128xf32, #tpu.memory_space<hbm>> -> memref<128x128xf32, #tpu.memory_space<hbm>>
    %dma_wait3A_43 = arith.constant 0 : i32
    %dma_wait3A_44 = arith.constant 0 : i32
    %dma_wait3A_45 = tpu.memref_slice %arg4[%dma_wait3A_43, %dma_wait3A_44] : memref<100000x128xf32, #tpu.memory_space<hbm>> -> memref<128x128xf32, #tpu.memory_space<hbm>>
    tpu.wait_dma2 semaphore(%arg12 : memref<!tpu.dma_semaphore, #tpu.memory_space<semaphore_mem>>) src(%dma_wait3A_45 : memref<128x128xf32, #tpu.memory_space<hbm>>) dst(%arg8 : memref<128x128xf32, #tpu.memory_space<vmem>>)
    %add3A_46 = arith.constant 196 : i32
    %add3A_47 = arith.addi %mul3A_2, %add3A_46 : i32
    %mul3A_48 = arith.constant 128 : i32
    %mul3A_49 = arith.muli %add3A_47, %mul3A_48 : i32
    %dma_start3A_50 = arith.constant 0 : i32
    %dma_start3A_51 = tpu.memref_slice %arg5[%mul3A_49, %dma_start3A_50] : memref<819200x128xf32, #tpu.memory_space<hbm>> -> memref<128x128xf32, #tpu.memory_space<hbm>>
    %dma_start3A_52 = arith.constant 0 : i32
    %dma_start3A_53 = tpu.memref_slice %arg5[%mul3A_49, %dma_start3A_52] : memref<819200x128xf32, #tpu.memory_space<hbm>> -> memref<128x128xf32, #tpu.memory_space<hbm>>
    tpu.enqueue_dma source(%arg8 : memref<128x128xf32, #tpu.memory_space<vmem>>) target(%dma_start3A_53 : memref<128x128xf32, #tpu.memory_space<hbm>>) target_semaphore(%arg16 : memref<!tpu.dma_semaphore, #tpu.memory_space<semaphore_mem>>)
    %dma_wait3A_54 = arith.constant 0 : i32
    %dma_wait3A_55 = tpu.memref_slice %arg5[%mul3A_49, %dma_wait3A_54] : memref<819200x128xf32, #tpu.memory_space<hbm>> -> memref<128x128xf32, #tpu.memory_space<hbm>>
    %dma_wait3A_56 = arith.constant 0 : i32
    %dma_wait3A_57 = tpu.memref_slice %arg5[%mul3A_49, %dma_wait3A_56] : memref<819200x128xf32, #tpu.memory_space<hbm>> -> memref<128x128xf32, #tpu.memory_space<hbm>>
    tpu.wait_dma2 semaphore(%arg16 : memref<!tpu.dma_semaphore, #tpu.memory_space<semaphore_mem>>) src(%arg8 : memref<128x128xf32, #tpu.memory_space<vmem>>) dst(%dma_wait3A_57 : memref<128x128xf32, #tpu.memory_space<hbm>>)
    %dma_wait3A_58 = arith.constant 0 : i32
    %dma_wait3A_59 = arith.constant 0 : i32
    %dma_wait3A_60 = tpu.memref_slice %arg4[%dma_wait3A_58, %dma_wait3A_59] : memref<100000x128xf32, #tpu.memory_space<hbm>> -> memref<128x128xf32, #tpu.memory_space<hbm>>
    %dma_wait3A_61 = arith.constant 0 : i32
    %dma_wait3A_62 = arith.constant 0 : i32
    %dma_wait3A_63 = tpu.memref_slice %arg4[%dma_wait3A_61, %dma_wait3A_62] : memref<100000x128xf32, #tpu.memory_space<hbm>> -> memref<128x128xf32, #tpu.memory_space<hbm>>
    tpu.wait_dma2 semaphore(%arg13 : memref<!tpu.dma_semaphore, #tpu.memory_space<semaphore_mem>>) src(%dma_wait3A_63 : memref<128x128xf32, #tpu.memory_space<hbm>>) dst(%arg9 : memref<128x128xf32, #tpu.memory_space<vmem>>)
    %add3A_64 = arith.constant 197 : i32
    %add3A_65 = arith.addi %mul3A_2, %add3A_64 : i32
    %mul3A_66 = arith.constant 128 : i32
    %mul3A_67 = arith.muli %add3A_65, %mul3A_66 : i32
    %dma_start3A_68 = arith.constant 0 : i32
    %dma_start3A_69 = tpu.memref_slice %arg5[%mul3A_67, %dma_start3A_68] : memref<819200x128xf32, #tpu.memory_space<hbm>> -> memref<128x128xf32, #tpu.memory_space<hbm>>
    %dma_start3A_70 = arith.constant 0 : i32
    %dma_start3A_71 = tpu.memref_slice %arg5[%mul3A_67, %dma_start3A_70] : memref<819200x128xf32, #tpu.memory_space<hbm>> -> memref<128x128xf32, #tpu.memory_space<hbm>>
    tpu.enqueue_dma source(%arg9 : memref<128x128xf32, #tpu.memory_space<vmem>>) target(%dma_start3A_71 : memref<128x128xf32, #tpu.memory_space<hbm>>) target_semaphore(%arg17 : memref<!tpu.dma_semaphore, #tpu.memory_space<semaphore_mem>>)
    %dma_wait3A_72 = arith.constant 0 : i32
    %dma_wait3A_73 = tpu.memref_slice %arg5[%mul3A_67, %dma_wait3A_72] : memref<819200x128xf32, #tpu.memory_space<hbm>> -> memref<128x128xf32, #tpu.memory_space<hbm>>
    %dma_wait3A_74 = arith.constant 0 : i32
    %dma_wait3A_75 = tpu.memref_slice %arg5[%mul3A_67, %dma_wait3A_74] : memref<819200x128xf32, #tpu.memory_space<hbm>> -> memref<128x128xf32, #tpu.memory_space<hbm>>
    tpu.wait_dma2 semaphore(%arg17 : memref<!tpu.dma_semaphore, #tpu.memory_space<semaphore_mem>>) src(%arg9 : memref<128x128xf32, #tpu.memory_space<vmem>>) dst(%dma_wait3A_75 : memref<128x128xf32, #tpu.memory_space<hbm>>)
    %dma_wait3A_76 = arith.constant 0 : i32
    %dma_wait3A_77 = arith.constant 0 : i32
    %dma_wait3A_78 = tpu.memref_slice %arg4[%dma_wait3A_76, %dma_wait3A_77] : memref<100000x128xf32, #tpu.memory_space<hbm>> -> memref<128x128xf32, #tpu.memory_space<hbm>>
    %dma_wait3A_79 = arith.constant 0 : i32
    %dma_wait3A_80 = arith.constant 0 : i32
    %dma_wait3A_81 = tpu.memref_slice %arg4[%dma_wait3A_79, %dma_wait3A_80] : memref<100000x128xf32, #tpu.memory_space<hbm>> -> memref<128x128xf32, #tpu.memory_space<hbm>>
    tpu.wait_dma2 semaphore(%arg14 : memref<!tpu.dma_semaphore, #tpu.memory_space<semaphore_mem>>) src(%dma_wait3A_81 : memref<128x128xf32, #tpu.memory_space<hbm>>) dst(%arg10 : memref<128x128xf32, #tpu.memory_space<vmem>>)
    %add3A_82 = arith.constant 198 : i32
    %add3A_83 = arith.addi %mul3A_2, %add3A_82 : i32
    %mul3A_84 = arith.constant 128 : i32
    %mul3A_85 = arith.muli %add3A_83, %mul3A_84 : i32
    %dma_start3A_86 = arith.constant 0 : i32
    %dma_start3A_87 = tpu.memref_slice %arg5[%mul3A_85, %dma_start3A_86] : memref<819200x128xf32, #tpu.memory_space<hbm>> -> memref<128x128xf32, #tpu.memory_space<hbm>>
    %dma_start3A_88 = arith.constant 0 : i32
    %dma_start3A_89 = tpu.memref_slice %arg5[%mul3A_85, %dma_start3A_88] : memref<819200x128xf32, #tpu.memory_space<hbm>> -> memref<128x128xf32, #tpu.memory_space<hbm>>
    tpu.enqueue_dma source(%arg10 : memref<128x128xf32, #tpu.memory_space<vmem>>) target(%dma_start3A_89 : memref<128x128xf32, #tpu.memory_space<hbm>>) target_semaphore(%arg18 : memref<!tpu.dma_semaphore, #tpu.memory_space<semaphore_mem>>)
    %dma_wait3A_90 = arith.constant 0 : i32
    %dma_wait3A_91 = tpu.memref_slice %arg5[%mul3A_85, %dma_wait3A_90] : memref<819200x128xf32, #tpu.memory_space<hbm>> -> memref<128x128xf32, #tpu.memory_space<hbm>>
    %dma_wait3A_92 = arith.constant 0 : i32
    %dma_wait3A_93 = tpu.memref_slice %arg5[%mul3A_85, %dma_wait3A_92] : memref<819200x128xf32, #tpu.memory_space<hbm>> -> memref<128x128xf32, #tpu.memory_space<hbm>>
    tpu.wait_dma2 semaphore(%arg18 : memref<!tpu.dma_semaphore, #tpu.memory_space<semaphore_mem>>) src(%arg10 : memref<128x128xf32, #tpu.memory_space<vmem>>) dst(%dma_wait3A_93 : memref<128x128xf32, #tpu.memory_space<hbm>>)
    %dma_wait3A_94 = arith.constant 0 : i32
    %dma_wait3A_95 = arith.constant 0 : i32
    %dma_wait3A_96 = tpu.memref_slice %arg4[%dma_wait3A_94, %dma_wait3A_95] : memref<100000x128xf32, #tpu.memory_space<hbm>> -> memref<128x128xf32, #tpu.memory_space<hbm>>
    %dma_wait3A_97 = arith.constant 0 : i32
    %dma_wait3A_98 = arith.constant 0 : i32
    %dma_wait3A_99 = tpu.memref_slice %arg4[%dma_wait3A_97, %dma_wait3A_98] : memref<100000x128xf32, #tpu.memory_space<hbm>> -> memref<128x128xf32, #tpu.memory_space<hbm>>
    tpu.wait_dma2 semaphore(%arg15 : memref<!tpu.dma_semaphore, #tpu.memory_space<semaphore_mem>>) src(%dma_wait3A_99 : memref<128x128xf32, #tpu.memory_space<hbm>>) dst(%arg11 : memref<128x128xf32, #tpu.memory_space<vmem>>)
    %add3A_100 = arith.constant 199 : i32
    %add3A_101 = arith.addi %mul3A_2, %add3A_100 : i32
    %mul3A_102 = arith.constant 128 : i32
    %mul3A_103 = arith.muli %add3A_101, %mul3A_102 : i32
    %dma_start3A_104 = arith.constant 0 : i32
    %dma_start3A_105 = tpu.memref_slice %arg5[%mul3A_103, %dma_start3A_104] : memref<819200x128xf32, #tpu.memory_space<hbm>> -> memref<128x128xf32, #tpu.memory_space<hbm>>
    %dma_start3A_106 = arith.constant 0 : i32
    %dma_start3A_107 = tpu.memref_slice %arg5[%mul3A_103, %dma_start3A_106] : memref<819200x128xf32, #tpu.memory_space<hbm>> -> memref<128x128xf32, #tpu.memory_space<hbm>>
    tpu.enqueue_dma source(%arg11 : memref<128x128xf32, #tpu.memory_space<vmem>>) target(%dma_start3A_107 : memref<128x128xf32, #tpu.memory_space<hbm>>) target_semaphore(%arg19 : memref<!tpu.dma_semaphore, #tpu.memory_space<semaphore_mem>>)
    %dma_wait3A_108 = arith.constant 0 : i32
    %dma_wait3A_109 = tpu.memref_slice %arg5[%mul3A_103, %dma_wait3A_108] : memref<819200x128xf32, #tpu.memory_space<hbm>> -> memref<128x128xf32, #tpu.memory_space<hbm>>
    %dma_wait3A_110 = arith.constant 0 : i32
    %dma_wait3A_111 = tpu.memref_slice %arg5[%mul3A_103, %dma_wait3A_110] : memref<819200x128xf32, #tpu.memory_space<hbm>> -> memref<128x128xf32, #tpu.memory_space<hbm>>
    tpu.wait_dma2 semaphore(%arg19 : memref<!tpu.dma_semaphore, #tpu.memory_space<semaphore_mem>>) src(%arg11 : memref<128x128xf32, #tpu.memory_space<vmem>>) dst(%dma_wait3A_111 : memref<128x128xf32, #tpu.memory_space<hbm>>)
    return
  }
}

</mosaic_0001>

<sc_bundles>
// kernel: kernel.3.cloned.1.call-start
scs
__scs_entry_jumppad:
0x0: {  	(pc) =	sbr.rel $0x88, $3  }
0x1: {  	(tag) =	ssettag $0x0;
	lr =	simm.s32 $0x1  }
0x2: {  	[smem:$0x3F9F] =	sst lr;
	_ =	strace $0xD0000000  }
0x3: {  	_ = 	snop  }
0x4: {  	_ = 	snop  }
0x5: {  	_ = 	snop  }
0x6: {  	_ = 	snop  }
0x7: {  	_ = 	snop  }
__scs_overlays_trampoline_lowered:
0x8: {  	[smem:$0x3FAE] =	sst s0  }
0x9: {  	[smem:$0x3FAF] =	sst s1  }
0xa: {  	[smem:$0x3FB0] =	sst s2  }
0xb: {  	[smem:$0x3FB1] =	sst s3  }
0xc: {  	[smem:$0x3FB2] =	sst s4  }
0xd: {  	[smem:$0x3FB3] =	sst s5  }
0xe: {  	[smem:$0x3FB4] =	sst s6  }
0xf: {  	[smem:$0x3FB5] =	sst s7  }
0x10: {  	[smem:$0x3FB6] =	sst s8  }
0x11: {  	[smem:$0x3FB7] =	sst s9;
	s0 =	simm.s32 @!p0 $0x0  }
0x12: {  	s1 =	sld [smem:$0x3F9D];
	s0 =	simm.s32 @p0 $0x1  }
0x13: {  	[smem:$0x3FB8] =	sst s0;
	s0 =	simm.s32 @!p1 $0x0  }
0x14: {  	s2 =	sld [smem:$0x3F9C];
	s0 =	simm.s32 @p1 $0x1  }
0x15: {  	[smem:$0x3FB9] =	sst s0;
	s0 =	simm.s32 @!p2 $0x0  }
0x16: {  	s3 =	sld [smem:$0x3FDB];
	s0 =	simm.s32 @p2 $0x1  }
0x17: {  	s4 =	simm.s32 $0x1BF5;
	[smem:$0x3FBB] =	sst s0  }
0x18: {  	s0 =	sld [smem:$0x3F9E];
	_ =	swait.ge [sflag:s4], $0x0  }
0x19: {  	s7 =	sld [smem:$0x3F9F]  }
0x1a: {  	s8 =	sadd.s32 $0xFFFFE003, lr  }
0x1b: {  	s9 =	sadd.s32 $0xFFFFFEF7, lr;
	s5 =	simm.s32 $0xFFFFFFFF;
	p2 =	slt.u32 s8, $0xFFFFF086  }
0x1c: {  	p1 =	slt.u32 s9, $0xF7A;
	s5 =	simm.s32 @!p2 $0x0  }
0x1d: {  	s5 =	simm.s32 @p1 $0x1;
	p0 =	seq.s32 s7, s2  }
0x1e: {  	s7 =	smul.u32 @!p0 $0xF7A, s2;
	p2 =	seq.s32 @!p0 s5, $0x0  }
0x1f: {  	s9 =	smul.u32 $0xF7A, s1;
	s8 =	simm.s32 @!p0 $0x1BF5;
	p2 =	por !p2, p0  }
0x20: {  	[sflag:s8] =	ssyncset.s32 @!p0 $0xFFFFF086;
	s6 =	sadd.s32 @!p0 s3, s7;
	s7 =	simm.s32 @!p0 $0x108  }
0x21: {  	s3 =	sadd.s32 s3, s9;
	s6 =	sadd.s32 @!p0 $0x88, s6;
	s7 =	simm.s32 @p2 $0x1082  }
0x22: {  	[simem:s7], [sflag:s8] =	dma.local @!p0 [hbm:s6], $0xF7A  }
0x23: {  	s9 =	sor.u32 $0xD0000000, s2;
	s6 =	simm.s32 $0x108;
	_ =	swait.ge @!p0 [sflag:s8], $0x0  }
0x24: {  	s3 =	sadd.s32 $0x88, s3;
	s6 =	simm.s32 @!p1 $0x1082;
	[sflag:s4] =	ssyncset.s32 $0xFFFFF086  }
0x25: {  	[simem:s6], [sflag:s4] =	dma.local [hbm:s3], $0xF7A  }
0x26: {  	[smem:$0x3F9F] =	sst s1;
	(tag) =	ssettag s2;
	_ =	strace s9  }
0x27: {  	s1 =	sld [smem:$0x3FAF]  }
0x28: {  	s2 =	sld [smem:$0x3FB0]  }
0x29: {  	s4 =	sld [smem:$0x3FB2]  }
0x2a: {  	p0 =	seq.s32 s5, $0x0;
	s5 =	sld [smem:$0x3FB3]  }
0x2b: {  	s6 =	sld [smem:$0x3FB4]  }
0x2c: {  	s7 =	sld [smem:$0x3FB5]  }
0x2d: {  	s3 =	simm.s32 $0x108;
	s8 =	sld [smem:$0x3FB6]  }
0x2e: {  	s3 =	simm.s32 @!p0 $0x1082;
	s9 =	sld [smem:$0x3FB7]  }
0x2f: {  	lr =	sadd.s32 s0, s3;
	s0 =	sld [smem:$0x3FAE]  }
0x30: {  	s3 =	sld [smem:$0x3FB1]  }
0x31: {  	[smem:$0x3FBA] =	sst s10  }
0x32: {  	s10 =	sld [smem:$0x3FB8];
	_ =	sdelay $0x3  }
0x33: {  	p0 =	seq.s32 s10, $0x1;
	s10 =	sld [smem:$0x3FBA];
	_ =	sdelay $0x3  }
0x34: {  	[smem:$0x3FBA] =	sst s10  }
0x35: {  	s10 =	sld [smem:$0x3FB9];
	_ =	sdelay $0x3  }
0x36: {  	p1 =	seq.s32 s10, $0x1;
	s10 =	sld [smem:$0x3FBA];
	_ =	sdelay $0x3  }
0x37: {  	[smem:$0x3FBA] =	sst s10  }
0x38: {  	s10 =	sld [smem:$0x3FBB]  }
0x39: {  	_ = 	snop;
	(pc) =	sbr.ind lr, $3  }
0x3a: {  	_ = 	snop  }
0x3b: {  	_ = 	snop  }
0x3c: {  	p2 =	seq.s32 s10, $0x1;
	s10 =	sld [smem:$0x3FBA]  }
0x3d: {  	_ =	shalt  }
0x3e: {  	_ =	shalt  }
0x3f: {  	_ =	shalt  }
0x40: {  	_ =	shalt  }
0x41: {  	_ =	shalt  }
0x42: {  	_ =	shalt  }
0x43: {  	_ =	shalt  }
0x44: {  	_ =	shalt  }
0x45: {  	_ =	shalt  }
0x46: {  	_ =	shalt  }
0x47: {  	_ =	shalt  }
0x48: {  	_ =	shalt  }
0x49: {  	_ =	shalt  }
0x4a: {  	_ =	shalt  }
0x4b: {  	_ =	shalt  }
0x4c: {  	_ =	shalt  }
0x4d: {  	_ =	shalt  }
0x4e: {  	_ =	shalt  }
0x4f: {  	_ =	shalt  }
0x50: {  	_ =	shalt  }
0x51: {  	_ =	shalt  }
0x52: {  	_ =	shalt  }
0x53: {  	_ =	shalt  }
0x54: {  	_ =	shalt  }
0x55: {  	_ =	shalt  }
0x56: {  	_ =	shalt  }
0x57: {  	_ =	shalt  }
0x58: {  	_ =	shalt  }
0x59: {  	_ =	shalt  }
0x5a: {  	_ =	shalt  }
0x5b: {  	_ =	shalt  }
0x5c: {  	_ =	shalt  }
0x5d: {  	_ =	shalt  }
0x5e: {  	_ =	shalt  }
0x5f: {  	_ =	shalt  }
0x60: {  	_ =	shalt  }
0x61: {  	_ =	shalt  }
0x62: {  	_ =	shalt  }
0x63: {  	_ =	shalt  }
0x64: {  	_ =	shalt  }
0x65: {  	_ =	shalt  }
0x66: {  	_ =	shalt  }
0x67: {  	_ =	shalt  }
0x68: {  	_ =	shalt  }
0x69: {  	_ =	shalt  }
0x6a: {  	_ =	shalt  }
0x6b: {  	_ =	shalt  }
0x6c: {  	_ =	shalt  }
0x6d: {  	_ =	shalt  }
0x6e: {  	_ =	shalt  }
0x6f: {  	_ =	shalt  }
0x70: {  	_ =	shalt  }
0x71: {  	_ =	shalt  }
0x72: {  	_ =	shalt  }
0x73: {  	_ =	shalt  }
0x74: {  	_ =	shalt  }
0x75: {  	_ =	shalt  }
0x76: {  	_ =	shalt  }
0x77: {  	_ =	shalt  }
0x78: {  	_ =	shalt  }
0x79: {  	_ =	shalt  }
0x7a: {  	_ =	shalt  }
0x7b: {  	_ =	shalt  }
0x7c: {  	_ =	shalt  }
0x7d: {  	_ =	shalt  }
0x7e: {  	_ =	shalt  }
0x7f: {  	_ =	shalt  }
0x80: {  	_ =	shalt  }
0x81: {  	_ =	shalt  }
0x82: {  	_ =	shalt  }
0x83: {  	_ =	shalt  }
0x84: {  	_ =	shalt  }
0x85: {  	_ =	shalt  }
0x86: {  	_ =	shalt  }
0x87: {  	_ =	shalt  }
.Lfunc_end0:
.L_simem_size_0:
called_computation_lowered:
.L_overlay_start_0:
0x88: {  	s2 =	sld [smem:$0x3FD9]  }
0x89: {  	s3 =	sld [smem:$0x3FFE];
	_ =	sdelay $0x1  }
0x8a: {  	s1 =	srdreg.scid  }
0x8b: {  	s0 =	sand.u32 $0x1, s1  }
0x8c: {  	s17 =	sshll.u32 s0, $0xA;
	s2 =	sadd.s32 s3, s2  }
0x8d: {  	s2 =	sadd.s32 s2, s17  }
0x8e: {  	[smem:$0x3FC6] =	sst s2  }
0x8f: {  	_ = 	snop  }
0x90: {  	s2 =	sld [smem:$0x3FC8]  }
0x91: {  	s18 =	sld [smem:$0x3FD0];
	(tm) =	ssettm $0x1  }
0x92: {  	s4 =	sld [smem:$0x3FFB];
	_ =	sdelay $0x3  }
0x93: {  	_ =	strace s4  }
0x94: {  	s4 =	sld [smem:$0x3FFC];
	_ =	sdelay $0x3  }
0x95: {  	_ =	strace s4  }
0x96: {  	s4 =	sld [smem:$0x3FFD];
	_ =	sdelay $0x3  }
0x97: {  	_ =	strace s4  }
0x98: {  	_ =	strace $0x8FFFFFFF  }
0x99: {  	s19 =	sld [smem:$0x3FDB];
	_ =	sdelay $0x1  }
0x9a: {  	s5 =	simm.s32 $_scs_section_size  }
0x9b: {  	s6 =	simm.s32 $_size__tile_overlayer_lowered;
	s7 =	simm.s32 $_tile_overlayer_lowered  }
0x9c: {  	s22 =	simm.s32 $0x1BFF;
	s21 =	sshll.u32 s7, $0x1;
	s4 =	sadd.s32 s5, s19  }
0x9d: {  	s8 =	simm.s32 $0x0;
	s20 =	sshll.u32 s6, $0x1;
	s6 =	sadd.s32 s21, s4  }
0x9e: {  	[timem:s8], [sflag:s22] =	dma.local [hbm:s6], s20  }
0x9f: {  	_ =	swait.ge [sflag:s22], s20  }
0xa0: {  	s5 =	ssub.s32 $0x0, s20;
	[sflag:s22] =	ssyncset.done $0x0  }
0xa1: {  	[sflag:s22] =	ssyncadd.s32 s5;
	_ =	sdelay $0x1  }
0xa2: {  	s23 =	simm.s32 $0x1B8B  }
0xa3: {  	_ =	swait.ge [sflag:s23], $0x1  }
0xa4: {  	[sflag:s23] =	ssyncset.done $0x0  }
0xa5: {  	s25 =	simm.s32 $0x1B8E;
	s24 =	sld [smem:$0x3FFE];
	[sflag:s23] =	ssyncadd.s32 $0xFFFFFFFF  }
0xa6: {  	s26 =	simm.s32 $execute0_lowered;
	[smem:$0x3FD2] =	sst s25  }
0xa7: {  	s6 =	sshll.u32 s26, $0x1;
	_ =	strace $0x80000046;
	[dreg:$0x1] =	wrdreg $0xFFFFFFFF  }
0xa8: {  	s28 =	simm.s32 $_size_execute0_lowered;
	s4 =	sadd.s32 s4, s6;
	[dreg:$0x0] =	wrdreg $0x0  }
0xa9: {  	s6 =	sshll.u32 s28, $0x1;
	[dreg:$0x2] =	wrdreg s4  }
0xaa: {  	[dreg:$0x3] =	wrdreg s6  }
0xab: {  	[dreg:$0x4] =	wrdreg $0xC0  }
0xac: {  	_ =	task [dreg:s8], $0x5FFFF  }
0xad: {  	[dreg:$0x1] =	wrdreg $0xFFFFFFFF  }
0xae: {  	[dreg:$0x0] =	wrdreg $0x60  }
0xaf: {  	[dreg:$0x2] =	wrdreg s24  }
0xb0: {  	[dreg:$0x3] =	wrdreg s2  }
0xb1: {  	[dreg:$0x4] =	wrdreg s18  }
0xb2: {  	[dreg:$0x5] =	wrdreg $0x9  }
0xb3: {  	_ =	task.clear_ibuf [dreg:s8], $0x6FFFF;
	_ =	strace $0x90000046  }
0xb4: {  	s29 =	simm.s32 $0x9;
	_ =	strace $0x80000048  }
0xb5: {  	_ =	swait.ge [sflag:s29], $0x1  }
0xb6: {  	[sflag:s29] =	ssyncadd.s32 $0xFFFFFFFF  }
0xb7: {  	_ =	strace $0x90000048  }
0xb8: {  	_ =	sfence  }
0xb9: {  	s30 =	sld [smem:$0x0];
	_ =	sdelay $0x2  }
0xba: {  	s31 =	sshll.u32 s1, $0xD;
	s1 =	sshrl.u32 s1, $0x2  }
0xbb: {  	s3 =	sand.u32 $0x4000, s31;
	s1 =	sadd.s32 s1, s30  }
0xbc: {  	s0 =	sor.u32 s3, s0;
	s1 =	sshll.u32 s1, $0x11  }
0xbd: {  	s0 =	sor.u32 s1, s0  }
0xbe: {  	s0 =	sadd.s32 $0x8F2B, s0  }
0xbf: {  	[sflag:s0] =	ssyncadd.remote.s32 $0x1  }
0xc0: {  	_ =	sfence.sel $0xFFFF  }
0xc1: {  	[dreg:$0x0] =	wrdreg $0xFFFFFFFF;
	(pc) =	sbr.abs _section_cstart, $3  }
0xc2: {  	[dreg:$0x1] =	wrdreg $0xFFFFFFFF  }
0xc3: {  	_ =	task.clear_ibuf [dreg:s8], $0x2FFFF;
	_ =	strace $0x9FFFFFFF  }
0xc4: {  	(tm) =	ssettm $0x7FFFFFFF  }
0xc5: {  	_ =	shalt  }
tec
execute0_lowered:
.L_overlay_start_1:
0x0: {  	(tag) =	ssettag $0x1  }
0x1: {  	s0 =	rddreg [dreg:$0x0]  }
0x2: {  	s1 =	srdreg.scid;
	s2 =	rddreg [dreg:$0x1]  }
0x3: {  	s13 =	stileid.u32;
	s4 =	rddreg [dreg:$0x2];
	s14 =	simm.s32 $0x9  }
0x4: {  	s16 =	simm.s32 $0x80;
	s17 =	simm.s32 $0xC800;
	s18 =	simm.s32 $0x10800  }
0x5: {  	s20 =	simm.s32 $0x14800;
	s22 =	simm.s32 $0x18800;
	s28 =	simm.s32 $0x3  }
0x6: {  	s29 =	simm.s32 $0x7;
	s30 =	simm.s32 $0x4;
	s9 =	smul.u32 $0x190, s13  }
0x7: {  	s1 =	sand.u32 $0x1, s1;
	s3 =	sshll.u32 s13, $0x1;
	s26 =	smul.u32 $0xC8000, s13  }
0x8: {  	s31 =	simm.s32 $0x8;
	s5 =	sor.u32 s1, s3;
	s12 =	smul.u32 $0xC8, s1  }
0x9: {  	s3 =	simm.s32 $0x0;
	s7 =	ssub.s32 $0x2, s1;
	s1 =	smul.u32 $0x64000, s1  }
0xa: {  	s6 =	smul.u32 $0xC80, s5;
	[smem:$0x7FF] =	sst s3;
	s23 =	sshrl.u32 s7, $0x1  }
0xb: {  	s5 =	smul.u32 $0x320000, s5;
	_ =	strace $0x80000047;
	s10 =	ssub.s32 s7, s23  }
0xc: {  	s25 =	sadd.s32 s12, s9;
	s23 =	simm.s32 $0x1;
	s0 =	sadd.s32 s6, s0  }
0xd: {  	s5 =	sshrl.u32 s5, $0x3;
	s10 =	smax.u32 s10, $0x1;
	s24 =	sadd.s32 $0x19C00, s0  }
0xe: {  	s11 =	sadd.s32 s4, s5;
	s0 =	sadd.s32 $0xC00, s0;
	[dreg:$0x4] =	wrdreg s24  }
0xf: {  	[dreg:$0x5] =	wrdreg s0;
	s6 =	sadd.s32 $0x62000, s11;
	s7 =	sadd.s32 $0x62800, s11  }
0x10: {  	s8 =	sadd.s32 $0x63000, s11;
	s9 =	sadd.s32 $0x63800, s11;
	s0 =	sshll.u32 s25, $0xB  }
0x11: {  	s24 =	simm.s32 $0x5;
	s25 =	simm.s32 $0x2;
	s0 =	sadd.s32 s0, s4  }
0x12: {  	s4 =	sadd.s32 s26, s4;
	s26 =	simm.s32 $0x6;
	s11 =	sadd.s32 $0x1800, s0  }
0x13: {  	s12 =	sadd.s32 $0x1000, s0;
	s13 =	sadd.s32 s1, s4;
	s1 =	simm.s32 $0x0  }
.LBB2_1:
0x14: {  	s0 =	rddreg [dreg:$0x4]  }
0x15: {  	[tilespmem:s3], [sflag:$0x9] =	stream.linear.gather [hbm4b:s0+s3], $0x6400, $0x38;
	[tilespmem:$0x1C800] =	vst v63  }
0x16: {  	_ =	swait.ge [sflag:s14], $0x6400  }
0x17: {  	[sflag:s14] =	ssyncset.done $0x0  }
0x18: {  	s4 =	simm.s32 $0x6400;
	s21 =	rddreg [dreg:$0x5];
	[sflag:s14] =	ssyncadd.s32 $0xFFFF9C00  }
0x19: {  	[tilespmem:s4], [sflag:$0x9] =	stream.linear.gather [hbm4b:s21+s3], $0x6400, $0x38;
	[tilespmem:$0x1C800] =	vst v63  }
0x1a: {  	_ =	swait.ge [sflag:s14], $0x6400  }
0x1b: {  	[sflag:s14] =	ssyncset.done $0x0  }
0x1c: {  	s0 =	simm.s32 $0x0;
	[sflag:s14] =	ssyncadd.s32 $0xFFFF9C00  }
0x1d: {  	v6 =	vld [tilespmem:s0+$0x6400]  }
0x1e: {  	v8 =	vld [tilespmem:s0+$0x6410]  }
0x1f: {  	v5 =	vld [tilespmem:s0+$0x6420]  }
0x20: {  	v4 =	vld [tilespmem:s0+$0x6430]  }
0x21: {  	v3 =	vld [tilespmem:s0+$0x6440]  }
0x22: {  	v2 =	vld [tilespmem:s0+$0x6450]  }
0x23: {  	v1 =	vld [tilespmem:s0+$0x6460]  }
0x24: {  	v0 =	vld [tilespmem:s0+$0x6470]  }
0x25: {  	v11 =	vld [tilespmem:s0+$0x0]  }
0x26: {  	v12 =	vld [tilespmem:s0+$0x10]  }
0x27: {  	v10 =	vld [tilespmem:s0+$0x20]  }
0x28: {  	v9 =	vld [tilespmem:s0+$0x30]  }
0x29: {  	v7 =	vld [tilespmem:s0+$0x40]  }
0x2a: {  	v11 =	vadd.s32 v11, v6;
	v6 =	vld [tilespmem:s0+$0x50]  }
0x2b: {  	s15 =	simm.s32 $0x200;
	[tilespmem:s0+$0x0] =	vst v11;
	v11 =	vadd.s32 v12, v8;
	v8 =	vld [tilespmem:s0+$0x60]  }
.LBB2_2:
0x2c: {  	s4 =	sshra.s32 s15, $0x2;
	p0 =	sne.s32 s15, $0x18E00;
	[tilespmem:s0+$0x10] =	vst v11;
	v5 =	vadd.s32 v10, v5;
	v10 =	vld [tilespmem:s0+$0x70]  }
0x2d: {  	v11 =	vld [tilespmem:s4+$0x6400];
	[tilespmem:s0+$0x20] =	vst v5;
	v4 =	vadd.s32 v9, v4  }
0x2e: {  	v12 =	vld [tilespmem:s4+$0x6410];
	[tilespmem:s0+$0x30] =	vst v4;
	v3 =	vadd.s32 v7, v3  }
0x2f: {  	v5 =	vld [tilespmem:s4+$0x6420];
	[tilespmem:s0+$0x40] =	vst v3;
	v2 =	vadd.s32 v6, v2  }
0x30: {  	v4 =	vld [tilespmem:s4+$0x6430];
	[tilespmem:s0+$0x50] =	vst v2;
	v1 =	vadd.s32 v8, v1  }
0x31: {  	v3 =	vld [tilespmem:s4+$0x6440];
	[tilespmem:s0+$0x60] =	vst v1;
	v0 =	vadd.s32 v10, v0  }
0x32: {  	v2 =	vld [tilespmem:s4+$0x6450];
	[tilespmem:s0+$0x70] =	vst v0;
	s0 =	smov.u32 s4  }
0x33: {  	v1 =	vld [tilespmem:s0+$0x6460]  }
0x34: {  	v0 =	vld [tilespmem:s0+$0x6470]  }
0x35: {  	v6 =	vld [tilespmem:s0+$0x0]  }
0x36: {  	v8 =	vld [tilespmem:s0+$0x10]  }
.Ltmp0:
0x37: {  	v10 =	vld [tilespmem:s0+$0x20];
	(pc) =	sbr.rel @p0 .LBB2_2-.Ltmp0, $4  }
0x38: {  	v9 =	vld [tilespmem:s0+$0x30]  }
0x39: {  	v7 =	vld [tilespmem:s0+$0x40]  }
0x3a: {  	v11 =	vadd.s32 v6, v11;
	v6 =	vld [tilespmem:s0+$0x50]  }
0x3b: {  	s15 =	sadd.s32 $0x200, s15;
	[tilespmem:s0+$0x0] =	vst v11;
	v11 =	vadd.s32 v8, v12;
	v8 =	vld [tilespmem:s0+$0x60]  }
0x3c: {  	[tilespmem:s0+$0x10] =	vst v11;
	v5 =	vadd.s32 v10, v5;
	v63 =	vld [tilespmem:s0+$0x70]  }
0x3d: {  	[tilespmem:s0+$0x20] =	vst v5;
	v4 =	vadd.s32 v9, v4  }
0x3e: {  	[tilespmem:s0+$0x30] =	vst v4;
	v3 =	vadd.s32 v7, v3  }
0x3f: {  	[tilespmem:s0+$0x40] =	vst v3;
	v2 =	vadd.s32 v6, v2  }
0x40: {  	[tilespmem:s0+$0x50] =	vst v2;
	v1 =	vadd.s32 v8, v1  }
0x41: {  	[tilespmem:s0+$0x60] =	vst v1;
	v0 =	vadd.s32 v63, v0  }
0x42: {  	s19 =	simm.s32 $0x0;
	[tilespmem:s0+$0x70] =	vst v0  }
0x43: {  	[tilespmem:s17], [sflag:$0x1] =	stream.indirect.gather [hbm4b:s2+s16], $0x80, s19, s16, $0xb8;
	[tilespmem:$0x1C800] =	vst v63  }
0x44: {  	_ = 	snop  }
0x45: {  	[tilespmem:s18], [sflag:$0x2] =	stream.indirect.gather [hbm4b:s2+s16], $0x80, s16, s16, $0xb8;
	[tilespmem:$0x1C800] =	vst v63  }
0x46: {  	s21 =	simm.s32 $0x100  }
0x47: {  	[tilespmem:s20], [sflag:$0x3] =	stream.indirect.gather [hbm4b:s2+s16], $0x80, s21, s16, $0xb8;
	[tilespmem:$0x1C800] =	vst v63  }
0x48: {  	s4 =	simm.s32 $0x180  }
0x49: {  	[tilespmem:s22], [sflag:$0x4] =	stream.indirect.gather [hbm4b:s2+s16], $0x80, s4, s16, $0xb8;
	[tilespmem:$0x1C800] =	vst v63  }
0x4a: {  	_ =	swait.ge [sflag:s23], $0x4000  }
0x4b: {  	[sflag:s23] =	ssyncset.done $0x0  }
0x4c: {  	[sflag:s23] =	ssyncadd.s32 $0xFFFFC000  }
0x4d: {  	[hbm4b:s13+s3] =	stream.linear.scatter [tilespmem:s17], [sflag:$0x5], $0x4000, $0x38;
	[tilespmem:$0x1C800] =	vst v63  }
0x4e: {  	_ =	swait.ge [sflag:s24], $0x4000  }
0x4f: {  	[sflag:s24] =	ssyncset.done $0x0  }
0x50: {  	s5 =	simm.s32 $0x200;
	[sflag:s24] =	ssyncadd.s32 $0xFFFFC000  }
0x51: {  	[tilespmem:s17], [sflag:$0x1] =	stream.indirect.gather [hbm4b:s2+s16], $0x80, s5, s16, $0xb8;
	[tilespmem:$0x1C800] =	vst v63  }
0x52: {  	_ =	swait.ge [sflag:s25], $0x4000  }
0x53: {  	[sflag:s25] =	ssyncset.done $0x0  }
0x54: {  	s15 =	sadd.s32 $0xFFFFF000, s11;
	[sflag:s25] =	ssyncadd.s32 $0xFFFFC000  }
0x55: {  	[hbm4b:s15+s3] =	stream.linear.scatter [tilespmem:s18], [sflag:$0x6], $0x4000, $0x38;
	[tilespmem:$0x1C800] =	vst v63  }
0x56: {  	_ =	swait.ge [sflag:s26], $0x4000  }
0x57: {  	[sflag:s26] =	ssyncset.done $0x0  }
0x58: {  	s19 =	simm.s32 $0x280;
	[sflag:s26] =	ssyncadd.s32 $0xFFFFC000  }
0x59: {  	[tilespmem:s18], [sflag:$0x2] =	stream.indirect.gather [hbm4b:s2+s16], $0x80, s19, s16, $0xb8;
	[tilespmem:$0x1C800] =	vst v63  }
0x5a: {  	_ =	swait.ge [sflag:s28], $0x4000  }
0x5b: {  	[sflag:s28] =	ssyncset.done $0x0  }
0x5c: {  	[sflag:s28] =	ssyncadd.s32 $0xFFFFC000  }
0x5d: {  	[hbm4b:s12+s3] =	stream.linear.scatter [tilespmem:s20], [sflag:$0x7], $0x4000, $0x38;
	[tilespmem:$0x1C800] =	vst v63  }
0x5e: {  	_ =	swait.ge [sflag:s29], $0x4000  }
0x5f: {  	[sflag:s29] =	ssyncset.done $0x0  }
0x60: {  	s21 =	simm.s32 $0x300;
	[sflag:s29] =	ssyncadd.s32 $0xFFFFC000  }
0x61: {  	[tilespmem:s20], [sflag:$0x3] =	stream.indirect.gather [hbm4b:s2+s16], $0x80, s21, s16, $0xb8;
	[tilespmem:$0x1C800] =	vst v63  }
0x62: {  	_ =	swait.ge [sflag:s30], $0x4000  }
0x63: {  	[sflag:s30] =	ssyncset.done $0x0  }
0x64: {  	[sflag:s30] =	ssyncadd.s32 $0xFFFFC000  }
0x65: {  	[hbm4b:s11+s3] =	stream.linear.scatter [tilespmem:s22], [sflag:$0x8], $0x4000, $0x38;
	[tilespmem:$0x1C800] =	vst v63  }
0x66: {  	s0 =	simm.s32 $0x800;
	_ =	swait.ge [sflag:s31], $0x4000  }
0x67: {  	s4 =	simm.s32 $0x380;
	s15 =	sadd.s32 $0x2000, s12;
	[sflag:s31] =	ssyncset.done $0x0  }
0x68: {  	s19 =	sadd.s32 $0x2000, s13;
	s21 =	sadd.s32 $0x2000, s11;
	[sflag:s31] =	ssyncadd.s32 $0xFFFFC000  }
.LBB2_4:
0x69: {  	[tilespmem:s22], [sflag:$0x4] =	stream.indirect.gather [hbm4b:s2+s16], $0x80, s4, s16, $0xb8;
	[tilespmem:$0x1C800] =	vst v63  }
0x6a: {  	s4 =	smov.u32 s0  }
0x6b: {  	p0 =	sne.s32 s0, $0x18000;
	s0 =	sadd.s32 $0x800, s0;
	_ =	swait.ge [sflag:s23], $0x4000  }
0x6c: {  	[sflag:s23] =	ssyncset.done $0x0  }
0x6d: {  	[sflag:s23] =	ssyncadd.s32 $0xFFFFC000  }
0x6e: {  	[hbm4b:s19+s3] =	stream.linear.scatter [tilespmem:s17], [sflag:$0x5], $0x4000, $0x38;
	[tilespmem:$0x1C800] =	vst v63  }
0x6f: {  	_ =	swait.ge [sflag:s24], $0x4000  }
0x70: {  	s4 =	sshra.s32 s4, $0x2;
	[sflag:s24] =	ssyncset.done $0x0  }
0x71: {  	s5 =	sadd.s32 $0x200, s4;
	[sflag:s24] =	ssyncadd.s32 $0xFFFFC000  }
0x72: {  	[tilespmem:s17], [sflag:$0x1] =	stream.indirect.gather [hbm4b:s2+s16], $0x80, s5, s16, $0xb8;
	[tilespmem:$0x1C800] =	vst v63  }
0x73: {  	_ =	swait.ge [sflag:s25], $0x4000  }
0x74: {  	[sflag:s25] =	ssyncset.done $0x0  }
0x75: {  	s5 =	sadd.s32 $0xFFFFF000, s21;
	[sflag:s25] =	ssyncadd.s32 $0xFFFFC000  }
0x76: {  	[hbm4b:s5+s3] =	stream.linear.scatter [tilespmem:s18], [sflag:$0x6], $0x4000, $0x38;
	[tilespmem:$0x1C800] =	vst v63  }
0x77: {  	_ =	swait.ge [sflag:s26], $0x4000  }
0x78: {  	[sflag:s26] =	ssyncset.done $0x0  }
0x79: {  	s5 =	sadd.s32 $0x280, s4;
	[sflag:s26] =	ssyncadd.s32 $0xFFFFC000  }
0x7a: {  	[tilespmem:s18], [sflag:$0x2] =	stream.indirect.gather [hbm4b:s2+s16], $0x80, s5, s16, $0xb8;
	[tilespmem:$0x1C800] =	vst v63  }
0x7b: {  	_ =	swait.ge [sflag:s28], $0x4000  }
0x7c: {  	[sflag:s28] =	ssyncset.done $0x0  }
0x7d: {  	[sflag:s28] =	ssyncadd.s32 $0xFFFFC000  }
0x7e: {  	[hbm4b:s15+s3] =	stream.linear.scatter [tilespmem:s20], [sflag:$0x7], $0x4000, $0x38;
	[tilespmem:$0x1C800] =	vst v63  }
0x7f: {  	_ =	swait.ge [sflag:s29], $0x4000  }
0x80: {  	[sflag:s29] =	ssyncset.done $0x0  }
0x81: {  	s5 =	sadd.s32 $0x300, s4;
	[sflag:s29] =	ssyncadd.s32 $0xFFFFC000  }
0x82: {  	[tilespmem:s20], [sflag:$0x3] =	stream.indirect.gather [hbm4b:s2+s16], $0x80, s5, s16, $0xb8;
	[tilespmem:$0x1C800] =	vst v63  }
0x83: {  	_ =	swait.ge [sflag:s30], $0x4000  }
0x84: {  	[sflag:s30] =	ssyncset.done $0x0  }
.Ltmp1:
0x85: {  	[sflag:s30] =	ssyncadd.s32 $0xFFFFC000;
	(pc) =	sbr.rel @p0 .LBB2_4-.Ltmp1, $4  }
0x86: {  	[hbm4b:s21+s3] =	stream.linear.scatter [tilespmem:s22], [sflag:$0x8], $0x4000, $0x38;
	[tilespmem:$0x1C800] =	vst v63  }
0x87: {  	_ =	swait.ge [sflag:s31], $0x4000  }
0x88: {  	s19 =	sadd.s32 $0x2000, s19;
	s15 =	sadd.s32 $0x2000, s15;
	[sflag:s31] =	ssyncset.done $0x0  }
0x89: {  	s4 =	sadd.s32 $0x380, s4;
	s21 =	sadd.s32 $0x2000, s21;
	[sflag:s31] =	ssyncadd.s32 $0xFFFFC000  }
0x8a: {  	[tilespmem:s22], [sflag:$0x4] =	stream.indirect.gather [hbm4b:s2+s16], $0x80, s4, s16, $0xb8;
	[tilespmem:$0x1C800] =	vst v63  }
0x8b: {  	_ =	swait.ge [sflag:s23], $0x4000  }
0x8c: {  	[sflag:s23] =	ssyncset.done $0x0  }
0x8d: {  	[sflag:s23] =	ssyncadd.s32 $0xFFFFC000  }
0x8e: {  	[hbm4b:s6+s3] =	stream.linear.scatter [tilespmem:s17], [sflag:$0x5], $0x4000, $0x38;
	[tilespmem:$0x1C800] =	vst v63  }
0x8f: {  	_ =	swait.ge [sflag:s24], $0x4000  }
0x90: {  	[sflag:s24] =	ssyncset.done $0x0  }
0x91: {  	[sflag:s24] =	ssyncadd.s32 $0xFFFFC000  }
0x92: {  	_ =	swait.ge [sflag:s25], $0x4000  }
0x93: {  	[sflag:s25] =	ssyncset.done $0x0  }
0x94: {  	[sflag:s25] =	ssyncadd.s32 $0xFFFFC000  }
0x95: {  	[hbm4b:s7+s3] =	stream.linear.scatter [tilespmem:s18], [sflag:$0x6], $0x4000, $0x38;
	[tilespmem:$0x1C800] =	vst v63  }
0x96: {  	_ =	swait.ge [sflag:s26], $0x4000  }
0x97: {  	[sflag:s26] =	ssyncset.done $0x0  }
0x98: {  	[sflag:s26] =	ssyncadd.s32 $0xFFFFC000  }
0x99: {  	_ =	swait.ge [sflag:s28], $0x4000  }
0x9a: {  	[sflag:s28] =	ssyncset.done $0x0  }
0x9b: {  	[sflag:s28] =	ssyncadd.s32 $0xFFFFC000  }
0x9c: {  	[hbm4b:s8+s3] =	stream.linear.scatter [tilespmem:s20], [sflag:$0x7], $0x4000, $0x38;
	[tilespmem:$0x1C800] =	vst v63  }
0x9d: {  	_ =	swait.ge [sflag:s29], $0x4000  }
0x9e: {  	[sflag:s29] =	ssyncset.done $0x0  }
0x9f: {  	[sflag:s29] =	ssyncadd.s32 $0xFFFFC000  }
0xa0: {  	s1 =	sadd.s32 $0x1, s1;
	_ =	swait.ge [sflag:s30], $0x4000  }
0xa1: {  	p0 =	sne.s32 s1, s10;
	[sflag:s30] =	ssyncset.done $0x0  }
.Ltmp2:
0xa2: {  	[sflag:s30] =	ssyncadd.s32 $0xFFFFC000;
	(pc) =	sbr.rel @p0 .LBB2_1-.Ltmp2, $4  }
0xa3: {  	[hbm4b:s9+s3] =	stream.linear.scatter [tilespmem:s22], [sflag:$0x8], $0x4000, $0x38;
	[tilespmem:$0x1C800] =	vst v63  }
0xa4: {  	_ =	swait.ge [sflag:s31], $0x4000  }
0xa5: {  	[sflag:s31] =	ssyncset.done $0x0  }
0xa6: {  	[sflag:s31] =	ssyncadd.s32 $0xFFFFC000  }
0xa7: {  	_ =	sfence.sel $0x180000  }
0xa8: {  	[bflag:$0x0] =	sbarrier.arrive $0xFFFF  }
0xa9: {  	_ =	strace $0x90000047  }
0xaa: {  	s0 =	stileid.u32;
	[bflag:$0x2] =	sbarrier.arrive $0xFFFF  }
0xab: {  	p0 =	sne.s32 s0, $0x0;
	s0 =	rddreg [dreg:$0x3]  }
0xac: {  	s0 =	sadd.s32 @!p0 $0x100000, s0  }
0xad: {  	[sflag:s0] =	ssyncadd.tile.s32 @!p0 $0x1;
	_ =	shalt  }
.Lfunc_end2:
_tile_overlayer_lowered:
.L_overlay_start_2:
0xae: {  	(tag) =	ssettag $0x2  }
0xaf: {  	s0 =	rddreg [dreg:$0x0];
	s2 =	stileid.u32  }
0xb0: {  	s1 =	rddreg [dreg:$0x1];
	p0 =	sne.s32 s2, $0x0  }
0xb1: {  	s3 =	rddreg [dreg:$0x2];
	[bflag:$0x3] =	sbarrier.arrive $0xFFFF;
	s2 =	simm.s32 @!p0 $0x1C09  }
0xb2: {  	[timem:s3], [sflag:s2] =	dma.local @!p0 [hbm:s0], s1  }
0xb3: {  	s0 =	simm.s32 @!p0 $0x9  }
0xb4: {  	_ =	swait.ge @!p0 [sflag:s0], s1  }
0xb5: {  	s1 =	ssub.s32 @!p0 $0x0, s1;
	[sflag:s0] =	ssyncset.done @!p0 $0x0  }
0xb6: {  	[sflag:s0] =	ssyncadd.s32 @!p0 s1  }
0xb7: {  	[bflag:$0x3] =	sbarrier.arrive $0xFFFF  }
0xb8: {  	_ =	shalt  }

</sc_bundles>
